<compile_context>
chip_gen: v7x
topology: tpu7x:2x2x1
jax: 0.10.2.dev20260603
libtpu: 0.0.44.dev20260713+nightly
codegen_flags: <defaults>
</compile_context>

<pallas_src>
import functools

import jax
import jax.numpy as jnp
from jax import lax
from jax.experimental import pallas as pl
from jax.experimental.pallas import tpu as pltpu
from jax.experimental.pallas import tpu_sc as plsc

N_FIELDS = 26
VOCAB_P1 = 100001
WIDTH = 64
BATCH = 16384

NUM_CORES = 2
NUM_SUBCORES = 16
NUM_WORKERS = NUM_CORES * NUM_SUBCORES
D_PER_W = WIDTH // NUM_WORKERS
LANES = 16
SEG = 50048
SEG1 = VOCAB_P1 - SEG
TBLK = 8192
NTB = BATCH // TBLK


def _make_sc_call():
    mesh = plsc.VectorSubcoreMesh(core_axis_name="c", subcore_axis_name="s")

    @functools.partial(
        pl.kernel,
        mesh=mesh,
        compiler_params=pltpu.CompilerParams(
            use_tc_tiling_on_sc=True, needs_layout_passes=False
        ),
        out_type=jax.ShapeDtypeStruct((WIDTH, BATCH), jnp.float32),
        scratch_types=[
            pltpu.VMEM((SEG,), jnp.float32),
            pltpu.VMEM((SEG1,), jnp.float32),
            pltpu.VMEM((TBLK,), jnp.int32),
            pltpu.VMEM((BATCH,), jnp.float32),
            pltpu.VMEM((N_FIELDS * LANES,), jnp.float32),
            pltpu.SemaphoreType.DMA,
            pltpu.SemaphoreType.DMA,
        ],
    )
    def emb_kernel(xT_hbm, w_hbm, tabT_hbm, outT_hbm,
                   rowa_v, rowb_v, idx_v, acc_v, w_v, sema, semb):
        wid = lax.axis_index("s") * NUM_CORES + lax.axis_index("c")
        pltpu.sync_copy(w_hbm, w_v)
        zero = jnp.zeros((LANES,), jnp.float32)
        segv = jnp.full((LANES,), SEG, jnp.int32)

        for p in range(D_PER_W):
            d = wid * D_PER_W + p

            def copy_h0(f, d=d):
                return pltpu.make_async_copy(
                    tabT_hbm.at[f, d, pl.ds(0, SEG)], rowa_v, sema)

            def copy_h1(f, d=d):
                return pltpu.make_async_copy(
                    tabT_hbm.at[f, d, pl.ds(SEG, SEG1)], rowb_v, semb)

            @plsc.parallel_loop(0, BATCH, step=LANES, unroll=8)
            def zero_body(s):
                acc_v[pl.ds(s, LANES)] = zero

            copy_h0(0).start()
            copy_h1(0).start()

            def f_body(f, carry):
                wf = pl.multiple_of(f * LANES, LANES)
                wv = w_v[pl.ds(wf, LANES)]

                copy_h0(f).wait()
                for b in range(NTB):
                    pltpu.sync_copy(xT_hbm.at[f, pl.ds(b * TBLK, TBLK)], idx_v)

                    @plsc.parallel_loop(0, TBLK, step=LANES, unroll=4)
                    def h0_body(s, b=b):
                        idx = idx_v[pl.ds(s, LANES)]
                        m = idx < segv
                        g = plsc.load_gather(rowa_v, [idx], mask=m)
                        g = jnp.where(m, g * wv, 0.0)
                        plsc.addupdate(acc_v.at[pl.ds(b * TBLK + s, LANES)], g)

                @pl.when(f < N_FIELDS - 1)
                def _():
                    copy_h0(f + 1).start()

                copy_h1(f).wait()
                for b in range(NTB):
                    pltpu.sync_copy(xT_hbm.at[f, pl.ds(b * TBLK, TBLK)], idx_v)

                    @plsc.parallel_loop(0, TBLK, step=LANES, unroll=4)
                    def h1_body(s, b=b):
                        idx = idx_v[pl.ds(s, LANES)]
                        m = idx >= segv
                        local = idx - segv
                        g = plsc.load_gather(rowb_v, [local], mask=m)
                        g = jnp.where(m, g * wv, 0.0)
                        plsc.addupdate(acc_v.at[pl.ds(b * TBLK + s, LANES)], g)

                @pl.when(f < N_FIELDS - 1)
                def _():
                    copy_h1(f + 1).start()

                return carry

            lax.fori_loop(0, N_FIELDS, f_body, 0)
            pltpu.sync_copy(acc_v, outT_hbm.at[d, :])

    return emb_kernel


_EMB_CALL = _make_sc_call()


@jax.jit
def _run(xT, wsplat, tabT):
    return _EMB_CALL(xT, wsplat, tabT)


def kernel(x, init0, tables):
    ew = jnp.exp(init0)
    xw = ew / jnp.sqrt(jnp.sum(ew))
    wsplat = jnp.broadcast_to(xw[:, None], (N_FIELDS, LANES)).reshape(-1)
    xT = x.T
    tabT = jnp.transpose(tables, (0, 2, 1))
    outT = _run(xT, wsplat, tabT)
    return outT.T

# --- scband reference (transcript-rebuilt; emitter-appended) ---
"""Pipeline reference for scband-embed-block-43293270344242 (READ-ONLY COPY).

The authoritative reference and input builder live on the scoring server;
editing this copy changes nothing except your own understanding.
"""

import jax, jax.numpy as jnp
import numpy as np

N_FIELDS = 26
VOCAB = 100000
WIDTH = 64
BATCH = 16384


def setup_inputs(seed: int = 0) -> dict:
    key = jax.random.key(seed)
    k1, k2 = jax.random.split(key)
    # forward arg: indices into each field's table (values < VOCAB, tables have VOCAB+1 rows)
    x = jax.random.randint(k1, (BATCH, N_FIELDS), 0, VOCAB, dtype=jnp.int32)
    # learned params: 26 stacked embedding tables [(VOCAB+1), WIDTH]; torch nn.Embedding init ~ N(0,1)
    tables = jax.random.normal(k2, (N_FIELDS, VOCAB + 1, WIDTH), dtype=jnp.float32)
    # tables 1..25 have padding_idx=0 -> row 0 initialized to zeros
    tables = tables.at[1:, 0, :].set(0.0)
    # init0 parameter initialized to zeros
    init0 = jnp.zeros((N_FIELDS,), dtype=jnp.float32)
    return {"x": x, "init0": init0, "tables": tables}


def reference(x, init0, tables):
    # xw = exp(init0) / sqrt(sum(exp(init0)))  (note: sqrt of sum, per the torch code)
    xw = jnp.exp(init0) / jnp.sqrt(jnp.sum(jnp.exp(init0)))
    # gather per-field embeddings: [N_FIELDS, BATCH, WIDTH]
    gathered = tables[jnp.arange(N_FIELDS)[:, None], x.T]
    # weighted sum over fields: xx = sum_i e_i(x[:, i]) * xw[i]
    xx = jnp.einsum('fbd,f->bd', gathered, xw)
    return xx

if __name__ == "__main__":
    import jax
    _d = setup_inputs()
    print(jax.jit(kernel)(*tuple(_d.values())))

</pallas_src>

<mosaic_0001>
#map = affine_map<(d0, d1) -> (0, 0)>
#map1 = affine_map<(d0, d1) -> (0)>
#map2 = affine_map<(d0, d1) -> (0, 0, 0)>
module attributes {stable_mosaic.version = 14 : i64} {
  func.func @emb_kernel(%arg0: i32, %arg1: i32, %arg2: memref<26x16384xi32, #tpu.memory_space<hbm>>, %arg3: memref<416xf32, #tpu.memory_space<hbm>>, %arg4: memref<26x64x100001xf32, #tpu.memory_space<hbm>>, %arg5: memref<64x16384xf32, #tpu.memory_space<hbm>>, %arg6: memref<50048xf32, #tpu.memory_space<vmem>>, %arg7: memref<49953xf32, #tpu.memory_space<vmem>>, %arg8: memref<8192xi32, #tpu.memory_space<vmem>>, %arg9: memref<16384xf32, #tpu.memory_space<vmem>>, %arg10: memref<416xf32, #tpu.memory_space<vmem>>, %arg11: memref<!tpu.dma_semaphore, #tpu.memory_space<semaphore_mem>>, %arg12: memref<!tpu.dma_semaphore, #tpu.memory_space<semaphore_mem>>) attributes {dimension_semantics = [#tpu.dimension_semantics<core_parallel>, #tpu.dimension_semantics<subcore_parallel>], iteration_bounds = array<i64: 2, 16>, scalar_prefetch = 0 : i64, scratch_operands = 7 : i64, tpu.core_type = #tpu.core_type<sc_vector_subcore>, window_params = [{transform_indices = #map}, {transform_indices = #map1}, {transform_indices = #map2}, {transform_indices = #map}]} {
    %mul3A = arith.constant 2 : i32
    %mul3A_0 = arith.muli %arg1, %mul3A : i32
    %add3A = arith.addi %mul3A_0, %arg0 : i32
    "tpu.region"() ({
      %run_scoped3A = tpu.sem_alloc : memref<!tpu.dma_semaphore, #tpu.memory_space<semaphore_mem>>
      tpu.enqueue_dma source(%arg3 : memref<416xf32, #tpu.memory_space<hbm>>) target(%arg10 : memref<416xf32, #tpu.memory_space<vmem>>) target_semaphore(%run_scoped3A : memref<!tpu.dma_semaphore, #tpu.memory_space<semaphore_mem>>)
      tpu.wait_dma2 semaphore(%run_scoped3A : memref<!tpu.dma_semaphore, #tpu.memory_space<semaphore_mem>>) src(%arg3 : memref<416xf32, #tpu.memory_space<hbm>>) dst(%arg10 : memref<416xf32, #tpu.memory_space<vmem>>)
      tpu.yield
    }) : () -> ()
    %broadcast_in_dim3A = arith.constant 0.000000e+00 : f32
    %broadcast_in_dim3A_1 = vector.broadcast %broadcast_in_dim3A : f32 to vector<16xf32>
    %broadcast_in_dim3A_2 = arith.constant 50048 : i32
    %broadcast_in_dim3A_3 = vector.broadcast %broadcast_in_dim3A_2 : i32 to vector<16xi32>
    %mul3A_4 = arith.constant 2 : i32
    %mul3A_5 = arith.muli %add3A, %mul3A_4 : i32
    %add3A_6 = arith.constant 0 : i32
    %add3A_7 = arith.addi %mul3A_5, %add3A_6 : i32
    %parallel_loop3A = arith.constant 0 : i32
    %parallel_loop3A_8 = arith.constant 16384 : i32
    %parallel_loop3A_9 = arith.constant 16 : i32
    scf.for %parallel_loop3A_55 = %parallel_loop3A to %parallel_loop3A_8 step %parallel_loop3A_9  : i32 {
      %parallel_loop3A_56 = arith.index_cast %parallel_loop3A_55 : i32 to index
      %parallel_loop3A_57 = tpu.vector_load %arg9[%parallel_loop3A_56] {strides = array<i32>} : memref<16384xf32, #tpu.memory_space<vmem>>, vector<16xf32>,
      tpu.vector_store %arg9[%parallel_loop3A_56], %broadcast_in_dim3A_1 {strides = array<i32>} : memref<16384xf32, #tpu.memory_space<vmem>>, vector<16xf32>,
    } {sc.loop_unroll_factor = 8 : i64, sc.parallel_access}
    %dma_start3A = arith.constant 0 : i32
    %dma_start3A_10 = arith.constant 0 : i32
    %dma_start3A_11 = tpu.memref_slice %arg4[%dma_start3A, %add3A_7, %dma_start3A_10] : memref<26x64x100001xf32, #tpu.memory_space<hbm>> -> memref<1x1x50048xf32, #tpu.memory_space<hbm>>
    %dma_start3A_12 = tpu.memref_squeeze %dma_start3A_11 : memref<1x1x50048xf32, #tpu.memory_space<hbm>> -> memref<50048xf32, #tpu.memory_space<hbm>>
    %dma_start3A_13 = arith.constant 0 : i32
    %dma_start3A_14 = tpu.memref_slice %arg4[%dma_start3A, %add3A_7, %dma_start3A_13] : memref<26x64x100001xf32, #tpu.memory_space<hbm>> -> memref<1x1x50048xf32, #tpu.memory_space<hbm>>
    %dma_start3A_15 = tpu.memref_squeeze %dma_start3A_14 : memref<1x1x50048xf32, #tpu.memory_space<hbm>> -> memref<50048xf32, #tpu.memory_space<hbm>>
    tpu.enqueue_dma source(%dma_start3A_15 : memref<50048xf32, #tpu.memory_space<hbm>>) target(%arg6 : memref<50048xf32, #tpu.memory_space<vmem>>) target_semaphore(%arg11 : memref<!tpu.dma_semaphore, #tpu.memory_space<semaphore_mem>>)
    %dma_start3A_16 = arith.constant 0 : i32
    %dma_start3A_17 = arith.constant 50048 : i32
    %dma_start3A_18 = tpu.memref_slice %arg4[%dma_start3A_16, %add3A_7, %dma_start3A_17] : memref<26x64x100001xf32, #tpu.memory_space<hbm>> -> memref<1x1x49953xf32, #tpu.memory_space<hbm>>
    %dma_start3A_19 = tpu.memref_squeeze %dma_start3A_18 : memref<1x1x49953xf32, #tpu.memory_space<hbm>> -> memref<49953xf32, #tpu.memory_space<hbm>>
    %dma_start3A_20 = arith.constant 50048 : i32
    %dma_start3A_21 = tpu.memref_slice %arg4[%dma_start3A_16, %add3A_7, %dma_start3A_20] : memref<26x64x100001xf32, #tpu.memory_space<hbm>> -> memref<1x1x49953xf32, #tpu.memory_space<hbm>>
    %dma_start3A_22 = tpu.memref_squeeze %dma_start3A_21 : memref<1x1x49953xf32, #tpu.memory_space<hbm>> -> memref<49953xf32, #tpu.memory_space<hbm>>
    tpu.enqueue_dma source(%dma_start3A_22 : memref<49953xf32, #tpu.memory_space<hbm>>) target(%arg7 : memref<49953xf32, #tpu.memory_space<vmem>>) target_semaphore(%arg12 : memref<!tpu.dma_semaphore, #tpu.memory_space<semaphore_mem>>)
    %scan3A = arith.constant 0 : i32
    %scan3A_23 = arith.constant 0 : i32
    %scan3A_24 = arith.constant 26 : i32
    %scan3A_25 = arith.addi %scan3A_23, %scan3A_24 : i32
    %scan3A_26 = arith.constant 1 : i32
    scf.for %scan3A_55 = %scan3A_23 to %scan3A_25 step %scan3A_26  : i32 {
      %mul3A_56 = arith.constant 16 : i32
      %mul3A_57 = arith.muli %scan3A_55, %mul3A_56 : i32
      %multiple_of3A = tpu.assume_multiple %mul3A_57, 16 : i32
      %get3A = arith.index_cast %multiple_of3A : i32 to index
      %get3A_58 = tpu.vector_load %arg10[%get3A] {strides = array<i32>} : memref<416xf32, #tpu.memory_space<vmem>>, vector<16xf32>,
      %dma_wait3A = arith.constant 0 : i32
      %dma_wait3A_59 = tpu.memref_slice %arg4[%scan3A_55, %add3A_7, %dma_wait3A] : memref<26x64x100001xf32, #tpu.memory_space<hbm>> -> memref<1x1x50048xf32, #tpu.memory_space<hbm>>
      %dma_wait3A_60 = tpu.memref_squeeze %dma_wait3A_59 : memref<1x1x50048xf32, #tpu.memory_space<hbm>> -> memref<50048xf32, #tpu.memory_space<hbm>>
      %dma_wait3A_61 = arith.constant 0 : i32
      %dma_wait3A_62 = tpu.memref_slice %arg4[%scan3A_55, %add3A_7, %dma_wait3A_61] : memref<26x64x100001xf32, #tpu.memory_space<hbm>> -> memref<1x1x50048xf32, #tpu.memory_space<hbm>>
      %dma_wait3A_63 = tpu.memref_squeeze %dma_wait3A_62 : memref<1x1x50048xf32, #tpu.memory_space<hbm>> -> memref<50048xf32, #tpu.memory_space<hbm>>
      tpu.wait_dma2 semaphore(%arg11 : memref<!tpu.dma_semaphore, #tpu.memory_space<semaphore_mem>>) src(%dma_wait3A_63 : memref<50048xf32, #tpu.memory_space<hbm>>) dst(%arg6 : memref<50048xf32, #tpu.memory_space<vmem>>)
      "tpu.region"() ({
        %run_scoped3A = tpu.sem_alloc : memref<!tpu.dma_semaphore, #tpu.memory_space<semaphore_mem>>
        %dma_start3A_89 = arith.constant 0 : i32
        %dma_start3A_90 = tpu.memref_slice %arg2[%scan3A_55, %dma_start3A_89] : memref<26x16384xi32, #tpu.memory_space<hbm>> -> memref<1x8192xi32, #tpu.memory_space<hbm>>
        %dma_start3A_91 = tpu.memref_squeeze %dma_start3A_90 : memref<1x8192xi32, #tpu.memory_space<hbm>> -> memref<8192xi32, #tpu.memory_space<hbm>>
        %dma_start3A_92 = arith.constant 0 : i32
        %dma_start3A_93 = tpu.memref_slice %arg2[%scan3A_55, %dma_start3A_92] : memref<26x16384xi32, #tpu.memory_space<hbm>> -> memref<1x8192xi32, #tpu.memory_space<hbm>>
        %dma_start3A_94 = tpu.memref_squeeze %dma_start3A_93 : memref<1x8192xi32, #tpu.memory_space<hbm>> -> memref<8192xi32, #tpu.memory_space<hbm>>
        tpu.enqueue_dma source(%dma_start3A_94 : memref<8192xi32, #tpu.memory_space<hbm>>) target(%arg8 : memref<8192xi32, #tpu.memory_space<vmem>>) target_semaphore(%run_scoped3A : memref<!tpu.dma_semaphore, #tpu.memory_space<semaphore_mem>>)
        %dma_wait3A_95 = arith.constant 0 : i32
        %dma_wait3A_96 = tpu.memref_slice %arg2[%scan3A_55, %dma_wait3A_95] : memref<26x16384xi32, #tpu.memory_space<hbm>> -> memref<1x8192xi32, #tpu.memory_space<hbm>>
        %dma_wait3A_97 = tpu.memref_squeeze %dma_wait3A_96 : memref<1x8192xi32, #tpu.memory_space<hbm>> -> memref<8192xi32, #tpu.memory_space<hbm>>
        %dma_wait3A_98 = arith.constant 0 : i32
        %dma_wait3A_99 = tpu.memref_slice %arg2[%scan3A_55, %dma_wait3A_98] : memref<26x16384xi32, #tpu.memory_space<hbm>> -> memref<1x8192xi32, #tpu.memory_space<hbm>>
        %dma_wait3A_100 = tpu.memref_squeeze %dma_wait3A_99 : memref<1x8192xi32, #tpu.memory_space<hbm>> -> memref<8192xi32, #tpu.memory_space<hbm>>
        tpu.wait_dma2 semaphore(%run_scoped3A : memref<!tpu.dma_semaphore, #tpu.memory_space<semaphore_mem>>) src(%dma_wait3A_100 : memref<8192xi32, #tpu.memory_space<hbm>>) dst(%arg8 : memref<8192xi32, #tpu.memory_space<vmem>>)
        tpu.yield
      }) : () -> ()
      %parallel_loop3A_64 = arith.constant 0 : i32
      %parallel_loop3A_65 = arith.constant 8192 : i32
      %parallel_loop3A_66 = arith.constant 16 : i32
      scf.for %parallel_loop3A_89 = %parallel_loop3A_64 to %parallel_loop3A_65 step %parallel_loop3A_66  : i32 {
        %parallel_loop3A_90 = arith.index_cast %parallel_loop3A_89 : i32 to index
        %parallel_loop3A_91 = tpu.vector_load %arg8[%parallel_loop3A_90] {strides = array<i32>} : memref<8192xi32, #tpu.memory_space<vmem>>, vector<16xi32>,
        %parallel_loop3A_92 = arith.cmpi slt, %parallel_loop3A_91, %broadcast_in_dim3A_3 : vector<16xi32>
        %parallel_loop3A_93 = tpu.vector_load_idx %arg6[%parallel_loop3A_91] masked %parallel_loop3A_92 : memref<50048xf32, #tpu.memory_space<vmem>>[vector<16xi32>], vector<16xf32>, vector<16xi1>
        %parallel_loop3A_94 = arith.mulf %parallel_loop3A_93, %get3A_58 : vector<16xf32>
        %parallel_loop3A_95 = arith.constant 0.000000e+00 : f32
        %parallel_loop3A_96 = vector.broadcast %parallel_loop3A_95 : f32 to vector<16xf32>
        %parallel_loop3A_97 = arith.select %parallel_loop3A_92, %parallel_loop3A_94, %parallel_loop3A_96 : vector<16xi1>, vector<16xf32>
        %parallel_loop3A_98 = arith.constant 0 : i32
        %parallel_loop3A_99 = arith.addi %parallel_loop3A_98, %parallel_loop3A_89 : i32
        %parallel_loop3A_100 = arith.index_cast %parallel_loop3A_99 : i32 to index
        %parallel_loop3A_101 = tpu.vector_load %arg9[%parallel_loop3A_100] {strides = array<i32>} : memref<16384xf32, #tpu.memory_space<vmem>>, vector<16xf32>,
        tpu.vector_store %arg9[%parallel_loop3A_100], %parallel_loop3A_97 {add = true, strides = array<i32>} : memref<16384xf32, #tpu.memory_space<vmem>>, vector<16xf32>,
      } {sc.loop_unroll_factor = 4 : i64, sc.parallel_access}
      "tpu.region"() ({
        %run_scoped3A = tpu.sem_alloc : memref<!tpu.dma_semaphore, #tpu.memory_space<semaphore_mem>>
        %dma_start3A_89 = arith.constant 8192 : i32
        %dma_start3A_90 = tpu.memref_slice %arg2[%scan3A_55, %dma_start3A_89] : memref<26x16384xi32, #tpu.memory_space<hbm>> -> memref<1x8192xi32, #tpu.memory_space<hbm>>
        %dma_start3A_91 = tpu.memref_squeeze %dma_start3A_90 : memref<1x8192xi32, #tpu.memory_space<hbm>> -> memref<8192xi32, #tpu.memory_space<hbm>>
        %dma_start3A_92 = arith.constant 8192 : i32
        %dma_start3A_93 = tpu.memref_slice %arg2[%scan3A_55, %dma_start3A_92] : memref<26x16384xi32, #tpu.memory_space<hbm>> -> memref<1x8192xi32, #tpu.memory_space<hbm>>
        %dma_start3A_94 = tpu.memref_squeeze %dma_start3A_93 : memref<1x8192xi32, #tpu.memory_space<hbm>> -> memref<8192xi32, #tpu.memory_space<hbm>>
        tpu.enqueue_dma source(%dma_start3A_94 : memref<8192xi32, #tpu.memory_space<hbm>>) target(%arg8 : memref<8192xi32, #tpu.memory_space<vmem>>) target_semaphore(%run_scoped3A : memref<!tpu.dma_semaphore, #tpu.memory_space<semaphore_mem>>)
        %dma_wait3A_95 = arith.constant 8192 : i32
        %dma_wait3A_96 = tpu.memref_slice %arg2[%scan3A_55, %dma_wait3A_95] : memref<26x16384xi32, #tpu.memory_space<hbm>> -> memref<1x8192xi32, #tpu.memory_space<hbm>>
        %dma_wait3A_97 = tpu.memref_squeeze %dma_wait3A_96 : memref<1x8192xi32, #tpu.memory_space<hbm>> -> memref<8192xi32, #tpu.memory_space<hbm>>
        %dma_wait3A_98 = arith.constant 8192 : i32
        %dma_wait3A_99 = tpu.memref_slice %arg2[%scan3A_55, %dma_wait3A_98] : memref<26x16384xi32, #tpu.memory_space<hbm>> -> memref<1x8192xi32, #tpu.memory_space<hbm>>
        %dma_wait3A_100 = tpu.memref_squeeze %dma_wait3A_99 : memref<1x8192xi32, #tpu.memory_space<hbm>> -> memref<8192xi32, #tpu.memory_space<hbm>>
        tpu.wait_dma2 semaphore(%run_scoped3A : memref<!tpu.dma_semaphore, #tpu.memory_space<semaphore_mem>>) src(%dma_wait3A_100 : memref<8192xi32, #tpu.memory_space<hbm>>) dst(%arg8 : memref<8192xi32, #tpu.memory_space<vmem>>)
        tpu.yield
      }) : () -> ()
      %parallel_loop3A_67 = arith.constant 0 : i32
      %parallel_loop3A_68 = arith.constant 8192 : i32
      %parallel_loop3A_69 = arith.constant 16 : i32
      scf.for %parallel_loop3A_89 = %parallel_loop3A_67 to %parallel_loop3A_68 step %parallel_loop3A_69  : i32 {
        %parallel_loop3A_90 = arith.index_cast %parallel_loop3A_89 : i32 to index
        %parallel_loop3A_91 = tpu.vector_load %arg8[%parallel_loop3A_90] {strides = array<i32>} : memref<8192xi32, #tpu.memory_space<vmem>>, vector<16xi32>,
        %parallel_loop3A_92 = arith.cmpi slt, %parallel_loop3A_91, %broadcast_in_dim3A_3 : vector<16xi32>
        %parallel_loop3A_93 = tpu.vector_load_idx %arg6[%parallel_loop3A_91] masked %parallel_loop3A_92 : memref<50048xf32, #tpu.memory_space<vmem>>[vector<16xi32>], vector<16xf32>, vector<16xi1>
        %parallel_loop3A_94 = arith.mulf %parallel_loop3A_93, %get3A_58 : vector<16xf32>
        %parallel_loop3A_95 = arith.constant 0.000000e+00 : f32
        %parallel_loop3A_96 = vector.broadcast %parallel_loop3A_95 : f32 to vector<16xf32>
        %parallel_loop3A_97 = arith.select %parallel_loop3A_92, %parallel_loop3A_94, %parallel_loop3A_96 : vector<16xi1>, vector<16xf32>
        %parallel_loop3A_98 = arith.constant 8192 : i32
        %parallel_loop3A_99 = arith.addi %parallel_loop3A_98, %parallel_loop3A_89 : i32
        %parallel_loop3A_100 = arith.index_cast %parallel_loop3A_99 : i32 to index
        %parallel_loop3A_101 = tpu.vector_load %arg9[%parallel_loop3A_100] {strides = array<i32>} : memref<16384xf32, #tpu.memory_space<vmem>>, vector<16xf32>,
        tpu.vector_store %arg9[%parallel_loop3A_100], %parallel_loop3A_97 {add = true, strides = array<i32>} : memref<16384xf32, #tpu.memory_space<vmem>>, vector<16xf32>,
      } {sc.loop_unroll_factor = 4 : i64, sc.parallel_access}
      %lt3A = arith.constant 25 : i32
      %lt3A_70 = arith.cmpi slt, %scan3A_55, %lt3A : i32
      %convert_element_type3A = arith.extui %lt3A_70 : i1 to i32
      %cond3A = arith.constant 0 : i32
      %cond3A_71 = arith.cmpi ne, %convert_element_type3A, %cond3A : i32
      scf.if %cond3A_71 {
        %add3A_89 = arith.constant 1 : i32
        %add3A_90 = arith.addi %scan3A_55, %add3A_89 : i32
        %dma_start3A_91 = arith.constant 0 : i32
        %dma_start3A_92 = tpu.memref_slice %arg4[%add3A_90, %add3A_7, %dma_start3A_91] : memref<26x64x100001xf32, #tpu.memory_space<hbm>> -> memref<1x1x50048xf32, #tpu.memory_space<hbm>>
        %dma_start3A_93 = tpu.memref_squeeze %dma_start3A_92 : memref<1x1x50048xf32, #tpu.memory_space<hbm>> -> memref<50048xf32, #tpu.memory_space<hbm>>
        %dma_start3A_94 = arith.constant 0 : i32
        %dma_start3A_95 = tpu.memref_slice %arg4[%add3A_90, %add3A_7, %dma_start3A_94] : memref<26x64x100001xf32, #tpu.memory_space<hbm>> -> memref<1x1x50048xf32, #tpu.memory_space<hbm>>
        %dma_start3A_96 = tpu.memref_squeeze %dma_start3A_95 : memref<1x1x50048xf32, #tpu.memory_space<hbm>> -> memref<50048xf32, #tpu.memory_space<hbm>>
        tpu.enqueue_dma source(%dma_start3A_96 : memref<50048xf32, #tpu.memory_space<hbm>>) target(%arg6 : memref<50048xf32, #tpu.memory_space<vmem>>) target_semaphore(%arg11 : memref<!tpu.dma_semaphore, #tpu.memory_space<semaphore_mem>>)
      } else {
      }
      %dma_wait3A_72 = arith.constant 50048 : i32
      %dma_wait3A_73 = tpu.memref_slice %arg4[%scan3A_55, %add3A_7, %dma_wait3A_72] : memref<26x64x100001xf32, #tpu.memory_space<hbm>> -> memref<1x1x49953xf32, #tpu.memory_space<hbm>>
      %dma_wait3A_74 = tpu.memref_squeeze %dma_wait3A_73 : memref<1x1x49953xf32, #tpu.memory_space<hbm>> -> memref<49953xf32, #tpu.memory_space<hbm>>
      %dma_wait3A_75 = arith.constant 50048 : i32
      %dma_wait3A_76 = tpu.memref_slice %arg4[%scan3A_55, %add3A_7, %dma_wait3A_75] : memref<26x64x100001xf32, #tpu.memory_space<hbm>> -> memref<1x1x49953xf32, #tpu.memory_space<hbm>>
      %dma_wait3A_77 = tpu.memref_squeeze %dma_wait3A_76 : memref<1x1x49953xf32, #tpu.memory_space<hbm>> -> memref<49953xf32, #tpu.memory_space<hbm>>
      tpu.wait_dma2 semaphore(%arg12 : memref<!tpu.dma_semaphore, #tpu.memory_space<semaphore_mem>>) src(%dma_wait3A_77 : memref<49953xf32, #tpu.memory_space<hbm>>) dst(%arg7 : memref<49953xf32, #tpu.memory_space<vmem>>)
      "tpu.region"() ({
        %run_scoped3A = tpu.sem_alloc : memref<!tpu.dma_semaphore, #tpu.memory_space<semaphore_mem>>
        %dma_start3A_89 = arith.constant 0 : i32
        %dma_start3A_90 = tpu.memref_slice %arg2[%scan3A_55, %dma_start3A_89] : memref<26x16384xi32, #tpu.memory_space<hbm>> -> memref<1x8192xi32, #tpu.memory_space<hbm>>
        %dma_start3A_91 = tpu.memref_squeeze %dma_start3A_90 : memref<1x8192xi32, #tpu.memory_space<hbm>> -> memref<8192xi32, #tpu.memory_space<hbm>>
        %dma_start3A_92 = arith.constant 0 : i32
        %dma_start3A_93 = tpu.memref_slice %arg2[%scan3A_55, %dma_start3A_92] : memref<26x16384xi32, #tpu.memory_space<hbm>> -> memref<1x8192xi32, #tpu.memory_space<hbm>>
        %dma_start3A_94 = tpu.memref_squeeze %dma_start3A_93 : memref<1x8192xi32, #tpu.memory_space<hbm>> -> memref<8192xi32, #tpu.memory_space<hbm>>
        tpu.enqueue_dma source(%dma_start3A_94 : memref<8192xi32, #tpu.memory_space<hbm>>) target(%arg8 : memref<8192xi32, #tpu.memory_space<vmem>>) target_semaphore(%run_scoped3A : memref<!tpu.dma_semaphore, #tpu.memory_space<semaphore_mem>>)
        %dma_wait3A_95 = arith.constant 0 : i32
        %dma_wait3A_96 = tpu.memref_slice %arg2[%scan3A_55, %dma_wait3A_95] : memref<26x16384xi32, #tpu.memory_space<hbm>> -> memref<1x8192xi32, #tpu.memory_space<hbm>>
        %dma_wait3A_97 = tpu.memref_squeeze %dma_wait3A_96 : memref<1x8192xi32, #tpu.memory_space<hbm>> -> memref<8192xi32, #tpu.memory_space<hbm>>
        %dma_wait3A_98 = arith.constant 0 : i32
        %dma_wait3A_99 = tpu.memref_slice %arg2[%scan3A_55, %dma_wait3A_98] : memref<26x16384xi32, #tpu.memory_space<hbm>> -> memref<1x8192xi32, #tpu.memory_space<hbm>>
        %dma_wait3A_100 = tpu.memref_squeeze %dma_wait3A_99 : memref<1x8192xi32, #tpu.memory_space<hbm>> -> memref<8192xi32, #tpu.memory_space<hbm>>
        tpu.wait_dma2 semaphore(%run_scoped3A : memref<!tpu.dma_semaphore, #tpu.memory_space<semaphore_mem>>) src(%dma_wait3A_100 : memref<8192xi32, #tpu.memory_space<hbm>>) dst(%arg8 : memref<8192xi32, #tpu.memory_space<vmem>>)
        tpu.yield
      }) : () -> ()
      %parallel_loop3A_78 = arith.constant 0 : i32
      %parallel_loop3A_79 = arith.constant 8192 : i32
      %parallel_loop3A_80 = arith.constant 16 : i32
      scf.for %parallel_loop3A_89 = %parallel_loop3A_78 to %parallel_loop3A_79 step %parallel_loop3A_80  : i32 {
        %parallel_loop3A_90 = arith.index_cast %parallel_loop3A_89 : i32 to index
        %parallel_loop3A_91 = tpu.vector_load %arg8[%parallel_loop3A_90] {strides = array<i32>} : memref<8192xi32, #tpu.memory_space<vmem>>, vector<16xi32>,
        %parallel_loop3A_92 = arith.cmpi sge, %parallel_loop3A_91, %broadcast_in_dim3A_3 : vector<16xi32>
        %parallel_loop3A_93 = arith.subi %parallel_loop3A_91, %broadcast_in_dim3A_3 : vector<16xi32>
        %parallel_loop3A_94 = tpu.vector_load_idx %arg7[%parallel_loop3A_93] masked %parallel_loop3A_92 : memref<49953xf32, #tpu.memory_space<vmem>>[vector<16xi32>], vector<16xf32>, vector<16xi1>
        %parallel_loop3A_95 = arith.mulf %parallel_loop3A_94, %get3A_58 : vector<16xf32>
        %parallel_loop3A_96 = arith.constant 0.000000e+00 : f32
        %parallel_loop3A_97 = vector.broadcast %parallel_loop3A_96 : f32 to vector<16xf32>
        %parallel_loop3A_98 = arith.select %parallel_loop3A_92, %parallel_loop3A_95, %parallel_loop3A_97 : vector<16xi1>, vector<16xf32>
        %parallel_loop3A_99 = arith.constant 0 : i32
        %parallel_loop3A_100 = arith.addi %parallel_loop3A_99, %parallel_loop3A_89 : i32
        %parallel_loop3A_101 = arith.index_cast %parallel_loop3A_100 : i32 to index
        %parallel_loop3A_102 = tpu.vector_load %arg9[%parallel_loop3A_101] {strides = array<i32>} : memref<16384xf32, #tpu.memory_space<vmem>>, vector<16xf32>,
        tpu.vector_store %arg9[%parallel_loop3A_101], %parallel_loop3A_98 {add = true, strides = array<i32>} : memref<16384xf32, #tpu.memory_space<vmem>>, vector<16xf32>,
      } {sc.loop_unroll_factor = 4 : i64, sc.parallel_access}
      "tpu.region"() ({
        %run_scoped3A = tpu.sem_alloc : memref<!tpu.dma_semaphore, #tpu.memory_space<semaphore_mem>>
        %dma_start3A_89 = arith.constant 8192 : i32
        %dma_start3A_90 = tpu.memref_slice %arg2[%scan3A_55, %dma_start3A_89] : memref<26x16384xi32, #tpu.memory_space<hbm>> -> memref<1x8192xi32, #tpu.memory_space<hbm>>
        %dma_start3A_91 = tpu.memref_squeeze %dma_start3A_90 : memref<1x8192xi32, #tpu.memory_space<hbm>> -> memref<8192xi32, #tpu.memory_space<hbm>>
        %dma_start3A_92 = arith.constant 8192 : i32
        %dma_start3A_93 = tpu.memref_slice %arg2[%scan3A_55, %dma_start3A_92] : memref<26x16384xi32, #tpu.memory_space<hbm>> -> memref<1x8192xi32, #tpu.memory_space<hbm>>
        %dma_start3A_94 = tpu.memref_squeeze %dma_start3A_93 : memref<1x8192xi32, #tpu.memory_space<hbm>> -> memref<8192xi32, #tpu.memory_space<hbm>>
        tpu.enqueue_dma source(%dma_start3A_94 : memref<8192xi32, #tpu.memory_space<hbm>>) target(%arg8 : memref<8192xi32, #tpu.memory_space<vmem>>) target_semaphore(%run_scoped3A : memref<!tpu.dma_semaphore, #tpu.memory_space<semaphore_mem>>)
        %dma_wait3A_95 = arith.constant 8192 : i32
        %dma_wait3A_96 = tpu.memref_slice %arg2[%scan3A_55, %dma_wait3A_95] : memref<26x16384xi32, #tpu.memory_space<hbm>> -> memref<1x8192xi32, #tpu.memory_space<hbm>>
        %dma_wait3A_97 = tpu.memref_squeeze %dma_wait3A_96 : memref<1x8192xi32, #tpu.memory_space<hbm>> -> memref<8192xi32, #tpu.memory_space<hbm>>
        %dma_wait3A_98 = arith.constant 8192 : i32
        %dma_wait3A_99 = tpu.memref_slice %arg2[%scan3A_55, %dma_wait3A_98] : memref<26x16384xi32, #tpu.memory_space<hbm>> -> memref<1x8192xi32, #tpu.memory_space<hbm>>
        %dma_wait3A_100 = tpu.memref_squeeze %dma_wait3A_99 : memref<1x8192xi32, #tpu.memory_space<hbm>> -> memref<8192xi32, #tpu.memory_space<hbm>>
        tpu.wait_dma2 semaphore(%run_scoped3A : memref<!tpu.dma_semaphore, #tpu.memory_space<semaphore_mem>>) src(%dma_wait3A_100 : memref<8192xi32, #tpu.memory_space<hbm>>) dst(%arg8 : memref<8192xi32, #tpu.memory_space<vmem>>)
        tpu.yield
      }) : () -> ()
      %parallel_loop3A_81 = arith.constant 0 : i32
      %parallel_loop3A_82 = arith.constant 8192 : i32
      %parallel_loop3A_83 = arith.constant 16 : i32
      scf.for %parallel_loop3A_89 = %parallel_loop3A_81 to %parallel_loop3A_82 step %parallel_loop3A_83  : i32 {
        %parallel_loop3A_90 = arith.index_cast %parallel_loop3A_89 : i32 to index
        %parallel_loop3A_91 = tpu.vector_load %arg8[%parallel_loop3A_90] {strides = array<i32>} : memref<8192xi32, #tpu.memory_space<vmem>>, vector<16xi32>,
        %parallel_loop3A_92 = arith.cmpi sge, %parallel_loop3A_91, %broadcast_in_dim3A_3 : vector<16xi32>
        %parallel_loop3A_93 = arith.subi %parallel_loop3A_91, %broadcast_in_dim3A_3 : vector<16xi32>
        %parallel_loop3A_94 = tpu.vector_load_idx %arg7[%parallel_loop3A_93] masked %parallel_loop3A_92 : memref<49953xf32, #tpu.memory_space<vmem>>[vector<16xi32>], vector<16xf32>, vector<16xi1>
        %parallel_loop3A_95 = arith.mulf %parallel_loop3A_94, %get3A_58 : vector<16xf32>
        %parallel_loop3A_96 = arith.constant 0.000000e+00 : f32
        %parallel_loop3A_97 = vector.broadcast %parallel_loop3A_96 : f32 to vector<16xf32>
        %parallel_loop3A_98 = arith.select %parallel_loop3A_92, %parallel_loop3A_95, %parallel_loop3A_97 : vector<16xi1>, vector<16xf32>
        %parallel_loop3A_99 = arith.constant 8192 : i32
        %parallel_loop3A_100 = arith.addi %parallel_loop3A_99, %parallel_loop3A_89 : i32
        %parallel_loop3A_101 = arith.index_cast %parallel_loop3A_100 : i32 to index
        %parallel_loop3A_102 = tpu.vector_load %arg9[%parallel_loop3A_101] {strides = array<i32>} : memref<16384xf32, #tpu.memory_space<vmem>>, vector<16xf32>,
        tpu.vector_store %arg9[%parallel_loop3A_101], %parallel_loop3A_98 {add = true, strides = array<i32>} : memref<16384xf32, #tpu.memory_space<vmem>>, vector<16xf32>,
      } {sc.loop_unroll_factor = 4 : i64, sc.parallel_access}
      %lt3A_84 = arith.constant 25 : i32
      %lt3A_85 = arith.cmpi slt, %scan3A_55, %lt3A_84 : i32
      %convert_element_type3A_86 = arith.extui %lt3A_85 : i1 to i32
      %cond3A_87 = arith.constant 0 : i32
      %cond3A_88 = arith.cmpi ne, %convert_element_type3A_86, %cond3A_87 : i32
      scf.if %cond3A_88 {
        %add3A_89 = arith.constant 1 : i32
        %add3A_90 = arith.addi %scan3A_55, %add3A_89 : i32
        %dma_start3A_91 = arith.constant 50048 : i32
        %dma_start3A_92 = tpu.memref_slice %arg4[%add3A_90, %add3A_7, %dma_start3A_91] : memref<26x64x100001xf32, #tpu.memory_space<hbm>> -> memref<1x1x49953xf32, #tpu.memory_space<hbm>>
        %dma_start3A_93 = tpu.memref_squeeze %dma_start3A_92 : memref<1x1x49953xf32, #tpu.memory_space<hbm>> -> memref<49953xf32, #tpu.memory_space<hbm>>
        %dma_start3A_94 = arith.constant 50048 : i32
        %dma_start3A_95 = tpu.memref_slice %arg4[%add3A_90, %add3A_7, %dma_start3A_94] : memref<26x64x100001xf32, #tpu.memory_space<hbm>> -> memref<1x1x49953xf32, #tpu.memory_space<hbm>>
        %dma_start3A_96 = tpu.memref_squeeze %dma_start3A_95 : memref<1x1x49953xf32, #tpu.memory_space<hbm>> -> memref<49953xf32, #tpu.memory_space<hbm>>
        tpu.enqueue_dma source(%dma_start3A_96 : memref<49953xf32, #tpu.memory_space<hbm>>) target(%arg7 : memref<49953xf32, #tpu.memory_space<vmem>>) target_semaphore(%arg12 : memref<!tpu.dma_semaphore, #tpu.memory_space<semaphore_mem>>)
      } else {
      }
    }
    %scan3A_27 = arith.constant 26 : i32
    "tpu.region"() ({
      %run_scoped3A = tpu.sem_alloc : memref<!tpu.dma_semaphore, #tpu.memory_space<semaphore_mem>>
      %dma_start3A_55 = arith.constant 0 : i32
      %dma_start3A_56 = tpu.memref_slice %arg5[%add3A_7, %dma_start3A_55] : memref<64x16384xf32, #tpu.memory_space<hbm>> -> memref<1x16384xf32, #tpu.memory_space<hbm>>
      %dma_start3A_57 = tpu.memref_squeeze %dma_start3A_56 : memref<1x16384xf32, #tpu.memory_space<hbm>> -> memref<16384xf32, #tpu.memory_space<hbm>>
      %dma_start3A_58 = arith.constant 0 : i32
      %dma_start3A_59 = tpu.memref_slice %arg5[%add3A_7, %dma_start3A_58] : memref<64x16384xf32, #tpu.memory_space<hbm>> -> memref<1x16384xf32, #tpu.memory_space<hbm>>
      %dma_start3A_60 = tpu.memref_squeeze %dma_start3A_59 : memref<1x16384xf32, #tpu.memory_space<hbm>> -> memref<16384xf32, #tpu.memory_space<hbm>>
      tpu.enqueue_dma source(%arg9 : memref<16384xf32, #tpu.memory_space<vmem>>) target(%dma_start3A_60 : memref<16384xf32, #tpu.memory_space<hbm>>) target_semaphore(%run_scoped3A : memref<!tpu.dma_semaphore, #tpu.memory_space<semaphore_mem>>)
      %dma_wait3A = arith.constant 0 : i32
      %dma_wait3A_61 = tpu.memref_slice %arg5[%add3A_7, %dma_wait3A] : memref<64x16384xf32, #tpu.memory_space<hbm>> -> memref<1x16384xf32, #tpu.memory_space<hbm>>
      %dma_wait3A_62 = tpu.memref_squeeze %dma_wait3A_61 : memref<1x16384xf32, #tpu.memory_space<hbm>> -> memref<16384xf32, #tpu.memory_space<hbm>>
      %dma_wait3A_63 = arith.constant 0 : i32
      %dma_wait3A_64 = tpu.memref_slice %arg5[%add3A_7, %dma_wait3A_63] : memref<64x16384xf32, #tpu.memory_space<hbm>> -> memref<1x16384xf32, #tpu.memory_space<hbm>>
      %dma_wait3A_65 = tpu.memref_squeeze %dma_wait3A_64 : memref<1x16384xf32, #tpu.memory_space<hbm>> -> memref<16384xf32, #tpu.memory_space<hbm>>
      tpu.wait_dma2 semaphore(%run_scoped3A : memref<!tpu.dma_semaphore, #tpu.memory_space<semaphore_mem>>) src(%arg9 : memref<16384xf32, #tpu.memory_space<vmem>>) dst(%dma_wait3A_65 : memref<16384xf32, #tpu.memory_space<hbm>>)
      tpu.yield
    }) : () -> ()
    %mul3A_28 = arith.constant 2 : i32
    %mul3A_29 = arith.muli %add3A, %mul3A_28 : i32
    %add3A_30 = arith.constant 1 : i32
    %add3A_31 = arith.addi %mul3A_29, %add3A_30 : i32
    %parallel_loop3A_32 = arith.constant 0 : i32
    %parallel_loop3A_33 = arith.constant 16384 : i32
    %parallel_loop3A_34 = arith.constant 16 : i32
    scf.for %parallel_loop3A_55 = %parallel_loop3A_32 to %parallel_loop3A_33 step %parallel_loop3A_34  : i32 {
      %parallel_loop3A_56 = arith.index_cast %parallel_loop3A_55 : i32 to index
      %parallel_loop3A_57 = tpu.vector_load %arg9[%parallel_loop3A_56] {strides = array<i32>} : memref<16384xf32, #tpu.memory_space<vmem>>, vector<16xf32>,
      tpu.vector_store %arg9[%parallel_loop3A_56], %broadcast_in_dim3A_1 {strides = array<i32>} : memref<16384xf32, #tpu.memory_space<vmem>>, vector<16xf32>,
    } {sc.loop_unroll_factor = 8 : i64, sc.parallel_access}
    %dma_start3A_35 = arith.constant 0 : i32
    %dma_start3A_36 = arith.constant 0 : i32
    %dma_start3A_37 = tpu.memref_slice %arg4[%dma_start3A_35, %add3A_31, %dma_start3A_36] : memref<26x64x100001xf32, #tpu.memory_space<hbm>> -> memref<1x1x50048xf32, #tpu.memory_space<hbm>>
    %dma_start3A_38 = tpu.memref_squeeze %dma_start3A_37 : memref<1x1x50048xf32, #tpu.memory_space<hbm>> -> memref<50048xf32, #tpu.memory_space<hbm>>
    %dma_start3A_39 = arith.constant 0 : i32
    %dma_start3A_40 = tpu.memref_slice %arg4[%dma_start3A_35, %add3A_31, %dma_start3A_39] : memref<26x64x100001xf32, #tpu.memory_space<hbm>> -> memref<1x1x50048xf32, #tpu.memory_space<hbm>>
    %dma_start3A_41 = tpu.memref_squeeze %dma_start3A_40 : memref<1x1x50048xf32, #tpu.memory_space<hbm>> -> memref<50048xf32, #tpu.memory_space<hbm>>
    tpu.enqueue_dma source(%dma_start3A_41 : memref<50048xf32, #tpu.memory_space<hbm>>) target(%arg6 : memref<50048xf32, #tpu.memory_space<vmem>>) target_semaphore(%arg11 : memref<!tpu.dma_semaphore, #tpu.memory_space<semaphore_mem>>)
    %dma_start3A_42 = arith.constant 0 : i32
    %dma_start3A_43 = arith.constant 50048 : i32
    %dma_start3A_44 = tpu.memref_slice %arg4[%dma_start3A_42, %add3A_31, %dma_start3A_43] : memref<26x64x100001xf32, #tpu.memory_space<hbm>> -> memref<1x1x49953xf32, #tpu.memory_space<hbm>>
    %dma_start3A_45 = tpu.memref_squeeze %dma_start3A_44 : memref<1x1x49953xf32, #tpu.memory_space<hbm>> -> memref<49953xf32, #tpu.memory_space<hbm>>
    %dma_start3A_46 = arith.constant 50048 : i32
    %dma_start3A_47 = tpu.memref_slice %arg4[%dma_start3A_42, %add3A_31, %dma_start3A_46] : memref<26x64x100001xf32, #tpu.memory_space<hbm>> -> memref<1x1x49953xf32, #tpu.memory_space<hbm>>
    %dma_start3A_48 = tpu.memref_squeeze %dma_start3A_47 : memref<1x1x49953xf32, #tpu.memory_space<hbm>> -> memref<49953xf32, #tpu.memory_space<hbm>>
    tpu.enqueue_dma source(%dma_start3A_48 : memref<49953xf32, #tpu.memory_space<hbm>>) target(%arg7 : memref<49953xf32, #tpu.memory_space<vmem>>) target_semaphore(%arg12 : memref<!tpu.dma_semaphore, #tpu.memory_space<semaphore_mem>>)
    %scan3A_49 = arith.constant 0 : i32
    %scan3A_50 = arith.constant 0 : i32
    %scan3A_51 = arith.constant 26 : i32
    %scan3A_52 = arith.addi %scan3A_50, %scan3A_51 : i32
    %scan3A_53 = arith.constant 1 : i32
    scf.for %scan3A_55 = %scan3A_50 to %scan3A_52 step %scan3A_53  : i32 {
      %mul3A_56 = arith.constant 16 : i32
      %mul3A_57 = arith.muli %scan3A_55, %mul3A_56 : i32
      %multiple_of3A = tpu.assume_multiple %mul3A_57, 16 : i32
      %get3A = arith.index_cast %multiple_of3A : i32 to index
      %get3A_58 = tpu.vector_load %arg10[%get3A] {strides = array<i32>} : memref<416xf32, #tpu.memory_space<vmem>>, vector<16xf32>,
      %dma_wait3A = arith.constant 0 : i32
      %dma_wait3A_59 = tpu.memref_slice %arg4[%scan3A_55, %add3A_31, %dma_wait3A] : memref<26x64x100001xf32, #tpu.memory_space<hbm>> -> memref<1x1x50048xf32, #tpu.memory_space<hbm>>
      %dma_wait3A_60 = tpu.memref_squeeze %dma_wait3A_59 : memref<1x1x50048xf32, #tpu.memory_space<hbm>> -> memref<50048xf32, #tpu.memory_space<hbm>>
      %dma_wait3A_61 = arith.constant 0 : i32
      %dma_wait3A_62 = tpu.memref_slice %arg4[%scan3A_55, %add3A_31, %dma_wait3A_61] : memref<26x64x100001xf32, #tpu.memory_space<hbm>> -> memref<1x1x50048xf32, #tpu.memory_space<hbm>>
      %dma_wait3A_63 = tpu.memref_squeeze %dma_wait3A_62 : memref<1x1x50048xf32, #tpu.memory_space<hbm>> -> memref<50048xf32, #tpu.memory_space<hbm>>
      tpu.wait_dma2 semaphore(%arg11 : memref<!tpu.dma_semaphore, #tpu.memory_space<semaphore_mem>>) src(%dma_wait3A_63 : memref<50048xf32, #tpu.memory_space<hbm>>) dst(%arg6 : memref<50048xf32, #tpu.memory_space<vmem>>)
      "tpu.region"() ({
        %run_scoped3A = tpu.sem_alloc : memref<!tpu.dma_semaphore, #tpu.memory_space<semaphore_mem>>
        %dma_start3A_89 = arith.constant 0 : i32
        %dma_start3A_90 = tpu.memref_slice %arg2[%scan3A_55, %dma_start3A_89] : memref<26x16384xi32, #tpu.memory_space<hbm>> -> memref<1x8192xi32, #tpu.memory_space<hbm>>
        %dma_start3A_91 = tpu.memref_squeeze %dma_start3A_90 : memref<1x8192xi32, #tpu.memory_space<hbm>> -> memref<8192xi32, #tpu.memory_space<hbm>>
        %dma_start3A_92 = arith.constant 0 : i32
        %dma_start3A_93 = tpu.memref_slice %arg2[%scan3A_55, %dma_start3A_92] : memref<26x16384xi32, #tpu.memory_space<hbm>> -> memref<1x8192xi32, #tpu.memory_space<hbm>>
        %dma_start3A_94 = tpu.memref_squeeze %dma_start3A_93 : memref<1x8192xi32, #tpu.memory_space<hbm>> -> memref<8192xi32, #tpu.memory_space<hbm>>
        tpu.enqueue_dma source(%dma_start3A_94 : memref<8192xi32, #tpu.memory_space<hbm>>) target(%arg8 : memref<8192xi32, #tpu.memory_space<vmem>>) target_semaphore(%run_scoped3A : memref<!tpu.dma_semaphore, #tpu.memory_space<semaphore_mem>>)
        %dma_wait3A_95 = arith.constant 0 : i32
        %dma_wait3A_96 = tpu.memref_slice %arg2[%scan3A_55, %dma_wait3A_95] : memref<26x16384xi32, #tpu.memory_space<hbm>> -> memref<1x8192xi32, #tpu.memory_space<hbm>>
        %dma_wait3A_97 = tpu.memref_squeeze %dma_wait3A_96 : memref<1x8192xi32, #tpu.memory_space<hbm>> -> memref<8192xi32, #tpu.memory_space<hbm>>
        %dma_wait3A_98 = arith.constant 0 : i32
        %dma_wait3A_99 = tpu.memref_slice %arg2[%scan3A_55, %dma_wait3A_98] : memref<26x16384xi32, #tpu.memory_space<hbm>> -> memref<1x8192xi32, #tpu.memory_space<hbm>>
        %dma_wait3A_100 = tpu.memref_squeeze %dma_wait3A_99 : memref<1x8192xi32, #tpu.memory_space<hbm>> -> memref<8192xi32, #tpu.memory_space<hbm>>
        tpu.wait_dma2 semaphore(%run_scoped3A : memref<!tpu.dma_semaphore, #tpu.memory_space<semaphore_mem>>) src(%dma_wait3A_100 : memref<8192xi32, #tpu.memory_space<hbm>>) dst(%arg8 : memref<8192xi32, #tpu.memory_space<vmem>>)
        tpu.yield
      }) : () -> ()
      %parallel_loop3A_64 = arith.constant 0 : i32
      %parallel_loop3A_65 = arith.constant 8192 : i32
      %parallel_loop3A_66 = arith.constant 16 : i32
      scf.for %parallel_loop3A_89 = %parallel_loop3A_64 to %parallel_loop3A_65 step %parallel_loop3A_66  : i32 {
        %parallel_loop3A_90 = arith.index_cast %parallel_loop3A_89 : i32 to index
        %parallel_loop3A_91 = tpu.vector_load %arg8[%parallel_loop3A_90] {strides = array<i32>} : memref<8192xi32, #tpu.memory_space<vmem>>, vector<16xi32>,
        %parallel_loop3A_92 = arith.cmpi slt, %parallel_loop3A_91, %broadcast_in_dim3A_3 : vector<16xi32>
        %parallel_loop3A_93 = tpu.vector_load_idx %arg6[%parallel_loop3A_91] masked %parallel_loop3A_92 : memref<50048xf32, #tpu.memory_space<vmem>>[vector<16xi32>], vector<16xf32>, vector<16xi1>
        %parallel_loop3A_94 = arith.mulf %parallel_loop3A_93, %get3A_58 : vector<16xf32>
        %parallel_loop3A_95 = arith.constant 0.000000e+00 : f32
        %parallel_loop3A_96 = vector.broadcast %parallel_loop3A_95 : f32 to vector<16xf32>
        %parallel_loop3A_97 = arith.select %parallel_loop3A_92, %parallel_loop3A_94, %parallel_loop3A_96 : vector<16xi1>, vector<16xf32>
        %parallel_loop3A_98 = arith.constant 0 : i32
        %parallel_loop3A_99 = arith.addi %parallel_loop3A_98, %parallel_loop3A_89 : i32
        %parallel_loop3A_100 = arith.index_cast %parallel_loop3A_99 : i32 to index
        %parallel_loop3A_101 = tpu.vector_load %arg9[%parallel_loop3A_100] {strides = array<i32>} : memref<16384xf32, #tpu.memory_space<vmem>>, vector<16xf32>,
        tpu.vector_store %arg9[%parallel_loop3A_100], %parallel_loop3A_97 {add = true, strides = array<i32>} : memref<16384xf32, #tpu.memory_space<vmem>>, vector<16xf32>,
      } {sc.loop_unroll_factor = 4 : i64, sc.parallel_access}
      "tpu.region"() ({
        %run_scoped3A = tpu.sem_alloc : memref<!tpu.dma_semaphore, #tpu.memory_space<semaphore_mem>>
        %dma_start3A_89 = arith.constant 8192 : i32
        %dma_start3A_90 = tpu.memref_slice %arg2[%scan3A_55, %dma_start3A_89] : memref<26x16384xi32, #tpu.memory_space<hbm>> -> memref<1x8192xi32, #tpu.memory_space<hbm>>
        %dma_start3A_91 = tpu.memref_squeeze %dma_start3A_90 : memref<1x8192xi32, #tpu.memory_space<hbm>> -> memref<8192xi32, #tpu.memory_space<hbm>>
        %dma_start3A_92 = arith.constant 8192 : i32
        %dma_start3A_93 = tpu.memref_slice %arg2[%scan3A_55, %dma_start3A_92] : memref<26x16384xi32, #tpu.memory_space<hbm>> -> memref<1x8192xi32, #tpu.memory_space<hbm>>
        %dma_start3A_94 = tpu.memref_squeeze %dma_start3A_93 : memref<1x8192xi32, #tpu.memory_space<hbm>> -> memref<8192xi32, #tpu.memory_space<hbm>>
        tpu.enqueue_dma source(%dma_start3A_94 : memref<8192xi32, #tpu.memory_space<hbm>>) target(%arg8 : memref<8192xi32, #tpu.memory_space<vmem>>) target_semaphore(%run_scoped3A : memref<!tpu.dma_semaphore, #tpu.memory_space<semaphore_mem>>)
        %dma_wait3A_95 = arith.constant 8192 : i32
        %dma_wait3A_96 = tpu.memref_slice %arg2[%scan3A_55, %dma_wait3A_95] : memref<26x16384xi32, #tpu.memory_space<hbm>> -> memref<1x8192xi32, #tpu.memory_space<hbm>>
        %dma_wait3A_97 = tpu.memref_squeeze %dma_wait3A_96 : memref<1x8192xi32, #tpu.memory_space<hbm>> -> memref<8192xi32, #tpu.memory_space<hbm>>
        %dma_wait3A_98 = arith.constant 8192 : i32
        %dma_wait3A_99 = tpu.memref_slice %arg2[%scan3A_55, %dma_wait3A_98] : memref<26x16384xi32, #tpu.memory_space<hbm>> -> memref<1x8192xi32, #tpu.memory_space<hbm>>
        %dma_wait3A_100 = tpu.memref_squeeze %dma_wait3A_99 : memref<1x8192xi32, #tpu.memory_space<hbm>> -> memref<8192xi32, #tpu.memory_space<hbm>>
        tpu.wait_dma2 semaphore(%run_scoped3A : memref<!tpu.dma_semaphore, #tpu.memory_space<semaphore_mem>>) src(%dma_wait3A_100 : memref<8192xi32, #tpu.memory_space<hbm>>) dst(%arg8 : memref<8192xi32, #tpu.memory_space<vmem>>)
        tpu.yield
      }) : () -> ()
      %parallel_loop3A_67 = arith.constant 0 : i32
      %parallel_loop3A_68 = arith.constant 8192 : i32
      %parallel_loop3A_69 = arith.constant 16 : i32
      scf.for %parallel_loop3A_89 = %parallel_loop3A_67 to %parallel_loop3A_68 step %parallel_loop3A_69  : i32 {
        %parallel_loop3A_90 = arith.index_cast %parallel_loop3A_89 : i32 to index
        %parallel_loop3A_91 = tpu.vector_load %arg8[%parallel_loop3A_90] {strides = array<i32>} : memref<8192xi32, #tpu.memory_space<vmem>>, vector<16xi32>,
        %parallel_loop3A_92 = arith.cmpi slt, %parallel_loop3A_91, %broadcast_in_dim3A_3 : vector<16xi32>
        %parallel_loop3A_93 = tpu.vector_load_idx %arg6[%parallel_loop3A_91] masked %parallel_loop3A_92 : memref<50048xf32, #tpu.memory_space<vmem>>[vector<16xi32>], vector<16xf32>, vector<16xi1>
        %parallel_loop3A_94 = arith.mulf %parallel_loop3A_93, %get3A_58 : vector<16xf32>
        %parallel_loop3A_95 = arith.constant 0.000000e+00 : f32
        %parallel_loop3A_96 = vector.broadcast %parallel_loop3A_95 : f32 to vector<16xf32>
        %parallel_loop3A_97 = arith.select %parallel_loop3A_92, %parallel_loop3A_94, %parallel_loop3A_96 : vector<16xi1>, vector<16xf32>
        %parallel_loop3A_98 = arith.constant 8192 : i32
        %parallel_loop3A_99 = arith.addi %parallel_loop3A_98, %parallel_loop3A_89 : i32
        %parallel_loop3A_100 = arith.index_cast %parallel_loop3A_99 : i32 to index
        %parallel_loop3A_101 = tpu.vector_load %arg9[%parallel_loop3A_100] {strides = array<i32>} : memref<16384xf32, #tpu.memory_space<vmem>>, vector<16xf32>,
        tpu.vector_store %arg9[%parallel_loop3A_100], %parallel_loop3A_97 {add = true, strides = array<i32>} : memref<16384xf32, #tpu.memory_space<vmem>>, vector<16xf32>,
      } {sc.loop_unroll_factor = 4 : i64, sc.parallel_access}
      %lt3A = arith.constant 25 : i32
      %lt3A_70 = arith.cmpi slt, %scan3A_55, %lt3A : i32
      %convert_element_type3A = arith.extui %lt3A_70 : i1 to i32
      %cond3A = arith.constant 0 : i32
      %cond3A_71 = arith.cmpi ne, %convert_element_type3A, %cond3A : i32
      scf.if %cond3A_71 {
        %add3A_89 = arith.constant 1 : i32
        %add3A_90 = arith.addi %scan3A_55, %add3A_89 : i32
        %dma_start3A_91 = arith.constant 0 : i32
        %dma_start3A_92 = tpu.memref_slice %arg4[%add3A_90, %add3A_31, %dma_start3A_91] : memref<26x64x100001xf32, #tpu.memory_space<hbm>> -> memref<1x1x50048xf32, #tpu.memory_space<hbm>>
        %dma_start3A_93 = tpu.memref_squeeze %dma_start3A_92 : memref<1x1x50048xf32, #tpu.memory_space<hbm>> -> memref<50048xf32, #tpu.memory_space<hbm>>
        %dma_start3A_94 = arith.constant 0 : i32
        %dma_start3A_95 = tpu.memref_slice %arg4[%add3A_90, %add3A_31, %dma_start3A_94] : memref<26x64x100001xf32, #tpu.memory_space<hbm>> -> memref<1x1x50048xf32, #tpu.memory_space<hbm>>
        %dma_start3A_96 = tpu.memref_squeeze %dma_start3A_95 : memref<1x1x50048xf32, #tpu.memory_space<hbm>> -> memref<50048xf32, #tpu.memory_space<hbm>>
        tpu.enqueue_dma source(%dma_start3A_96 : memref<50048xf32, #tpu.memory_space<hbm>>) target(%arg6 : memref<50048xf32, #tpu.memory_space<vmem>>) target_semaphore(%arg11 : memref<!tpu.dma_semaphore, #tpu.memory_space<semaphore_mem>>)
      } else {
      }
      %dma_wait3A_72 = arith.constant 50048 : i32
      %dma_wait3A_73 = tpu.memref_slice %arg4[%scan3A_55, %add3A_31, %dma_wait3A_72] : memref<26x64x100001xf32, #tpu.memory_space<hbm>> -> memref<1x1x49953xf32, #tpu.memory_space<hbm>>
      %dma_wait3A_74 = tpu.memref_squeeze %dma_wait3A_73 : memref<1x1x49953xf32, #tpu.memory_space<hbm>> -> memref<49953xf32, #tpu.memory_space<hbm>>
      %dma_wait3A_75 = arith.constant 50048 : i32
      %dma_wait3A_76 = tpu.memref_slice %arg4[%scan3A_55, %add3A_31, %dma_wait3A_75] : memref<26x64x100001xf32, #tpu.memory_space<hbm>> -> memref<1x1x49953xf32, #tpu.memory_space<hbm>>
      %dma_wait3A_77 = tpu.memref_squeeze %dma_wait3A_76 : memref<1x1x49953xf32, #tpu.memory_space<hbm>> -> memref<49953xf32, #tpu.memory_space<hbm>>
      tpu.wait_dma2 semaphore(%arg12 : memref<!tpu.dma_semaphore, #tpu.memory_space<semaphore_mem>>) src(%dma_wait3A_77 : memref<49953xf32, #tpu.memory_space<hbm>>) dst(%arg7 : memref<49953xf32, #tpu.memory_space<vmem>>)
      "tpu.region"() ({
        %run_scoped3A = tpu.sem_alloc : memref<!tpu.dma_semaphore, #tpu.memory_space<semaphore_mem>>
        %dma_start3A_89 = arith.constant 0 : i32
        %dma_start3A_90 = tpu.memref_slice %arg2[%scan3A_55, %dma_start3A_89] : memref<26x16384xi32, #tpu.memory_space<hbm>> -> memref<1x8192xi32, #tpu.memory_space<hbm>>
        %dma_start3A_91 = tpu.memref_squeeze %dma_start3A_90 : memref<1x8192xi32, #tpu.memory_space<hbm>> -> memref<8192xi32, #tpu.memory_space<hbm>>
        %dma_start3A_92 = arith.constant 0 : i32
        %dma_start3A_93 = tpu.memref_slice %arg2[%scan3A_55, %dma_start3A_92] : memref<26x16384xi32, #tpu.memory_space<hbm>> -> memref<1x8192xi32, #tpu.memory_space<hbm>>
        %dma_start3A_94 = tpu.memref_squeeze %dma_start3A_93 : memref<1x8192xi32, #tpu.memory_space<hbm>> -> memref<8192xi32, #tpu.memory_space<hbm>>
        tpu.enqueue_dma source(%dma_start3A_94 : memref<8192xi32, #tpu.memory_space<hbm>>) target(%arg8 : memref<8192xi32, #tpu.memory_space<vmem>>) target_semaphore(%run_scoped3A : memref<!tpu.dma_semaphore, #tpu.memory_space<semaphore_mem>>)
        %dma_wait3A_95 = arith.constant 0 : i32
        %dma_wait3A_96 = tpu.memref_slice %arg2[%scan3A_55, %dma_wait3A_95] : memref<26x16384xi32, #tpu.memory_space<hbm>> -> memref<1x8192xi32, #tpu.memory_space<hbm>>
        %dma_wait3A_97 = tpu.memref_squeeze %dma_wait3A_96 : memref<1x8192xi32, #tpu.memory_space<hbm>> -> memref<8192xi32, #tpu.memory_space<hbm>>
        %dma_wait3A_98 = arith.constant 0 : i32
        %dma_wait3A_99 = tpu.memref_slice %arg2[%scan3A_55, %dma_wait3A_98] : memref<26x16384xi32, #tpu.memory_space<hbm>> -> memref<1x8192xi32, #tpu.memory_space<hbm>>
        %dma_wait3A_100 = tpu.memref_squeeze %dma_wait3A_99 : memref<1x8192xi32, #tpu.memory_space<hbm>> -> memref<8192xi32, #tpu.memory_space<hbm>>
        tpu.wait_dma2 semaphore(%run_scoped3A : memref<!tpu.dma_semaphore, #tpu.memory_space<semaphore_mem>>) src(%dma_wait3A_100 : memref<8192xi32, #tpu.memory_space<hbm>>) dst(%arg8 : memref<8192xi32, #tpu.memory_space<vmem>>)
        tpu.yield
      }) : () -> ()
      %parallel_loop3A_78 = arith.constant 0 : i32
      %parallel_loop3A_79 = arith.constant 8192 : i32
      %parallel_loop3A_80 = arith.constant 16 : i32
      scf.for %parallel_loop3A_89 = %parallel_loop3A_78 to %parallel_loop3A_79 step %parallel_loop3A_80  : i32 {
        %parallel_loop3A_90 = arith.index_cast %parallel_loop3A_89 : i32 to index
        %parallel_loop3A_91 = tpu.vector_load %arg8[%parallel_loop3A_90] {strides = array<i32>} : memref<8192xi32, #tpu.memory_space<vmem>>, vector<16xi32>,
        %parallel_loop3A_92 = arith.cmpi sge, %parallel_loop3A_91, %broadcast_in_dim3A_3 : vector<16xi32>
        %parallel_loop3A_93 = arith.subi %parallel_loop3A_91, %broadcast_in_dim3A_3 : vector<16xi32>
        %parallel_loop3A_94 = tpu.vector_load_idx %arg7[%parallel_loop3A_93] masked %parallel_loop3A_92 : memref<49953xf32, #tpu.memory_space<vmem>>[vector<16xi32>], vector<16xf32>, vector<16xi1>
        %parallel_loop3A_95 = arith.mulf %parallel_loop3A_94, %get3A_58 : vector<16xf32>
        %parallel_loop3A_96 = arith.constant 0.000000e+00 : f32
        %parallel_loop3A_97 = vector.broadcast %parallel_loop3A_96 : f32 to vector<16xf32>
        %parallel_loop3A_98 = arith.select %parallel_loop3A_92, %parallel_loop3A_95, %parallel_loop3A_97 : vector<16xi1>, vector<16xf32>
        %parallel_loop3A_99 = arith.constant 0 : i32
        %parallel_loop3A_100 = arith.addi %parallel_loop3A_99, %parallel_loop3A_89 : i32
        %parallel_loop3A_101 = arith.index_cast %parallel_loop3A_100 : i32 to index
        %parallel_loop3A_102 = tpu.vector_load %arg9[%parallel_loop3A_101] {strides = array<i32>} : memref<16384xf32, #tpu.memory_space<vmem>>, vector<16xf32>,
        tpu.vector_store %arg9[%parallel_loop3A_101], %parallel_loop3A_98 {add = true, strides = array<i32>} : memref<16384xf32, #tpu.memory_space<vmem>>, vector<16xf32>,
      } {sc.loop_unroll_factor = 4 : i64, sc.parallel_access}
      "tpu.region"() ({
        %run_scoped3A = tpu.sem_alloc : memref<!tpu.dma_semaphore, #tpu.memory_space<semaphore_mem>>
        %dma_start3A_89 = arith.constant 8192 : i32
        %dma_start3A_90 = tpu.memref_slice %arg2[%scan3A_55, %dma_start3A_89] : memref<26x16384xi32, #tpu.memory_space<hbm>> -> memref<1x8192xi32, #tpu.memory_space<hbm>>
        %dma_start3A_91 = tpu.memref_squeeze %dma_start3A_90 : memref<1x8192xi32, #tpu.memory_space<hbm>> -> memref<8192xi32, #tpu.memory_space<hbm>>
        %dma_start3A_92 = arith.constant 8192 : i32
        %dma_start3A_93 = tpu.memref_slice %arg2[%scan3A_55, %dma_start3A_92] : memref<26x16384xi32, #tpu.memory_space<hbm>> -> memref<1x8192xi32, #tpu.memory_space<hbm>>
        %dma_start3A_94 = tpu.memref_squeeze %dma_start3A_93 : memref<1x8192xi32, #tpu.memory_space<hbm>> -> memref<8192xi32, #tpu.memory_space<hbm>>
        tpu.enqueue_dma source(%dma_start3A_94 : memref<8192xi32, #tpu.memory_space<hbm>>) target(%arg8 : memref<8192xi32, #tpu.memory_space<vmem>>) target_semaphore(%run_scoped3A : memref<!tpu.dma_semaphore, #tpu.memory_space<semaphore_mem>>)
        %dma_wait3A_95 = arith.constant 8192 : i32
        %dma_wait3A_96 = tpu.memref_slice %arg2[%scan3A_55, %dma_wait3A_95] : memref<26x16384xi32, #tpu.memory_space<hbm>> -> memref<1x8192xi32, #tpu.memory_space<hbm>>
        %dma_wait3A_97 = tpu.memref_squeeze %dma_wait3A_96 : memref<1x8192xi32, #tpu.memory_space<hbm>> -> memref<8192xi32, #tpu.memory_space<hbm>>
        %dma_wait3A_98 = arith.constant 8192 : i32
        %dma_wait3A_99 = tpu.memref_slice %arg2[%scan3A_55, %dma_wait3A_98] : memref<26x16384xi32, #tpu.memory_space<hbm>> -> memref<1x8192xi32, #tpu.memory_space<hbm>>
        %dma_wait3A_100 = tpu.memref_squeeze %dma_wait3A_99 : memref<1x8192xi32, #tpu.memory_space<hbm>> -> memref<8192xi32, #tpu.memory_space<hbm>>
        tpu.wait_dma2 semaphore(%run_scoped3A : memref<!tpu.dma_semaphore, #tpu.memory_space<semaphore_mem>>) src(%dma_wait3A_100 : memref<8192xi32, #tpu.memory_space<hbm>>) dst(%arg8 : memref<8192xi32, #tpu.memory_space<vmem>>)
        tpu.yield
      }) : () -> ()
      %parallel_loop3A_81 = arith.constant 0 : i32
      %parallel_loop3A_82 = arith.constant 8192 : i32
      %parallel_loop3A_83 = arith.constant 16 : i32
      scf.for %parallel_loop3A_89 = %parallel_loop3A_81 to %parallel_loop3A_82 step %parallel_loop3A_83  : i32 {
        %parallel_loop3A_90 = arith.index_cast %parallel_loop3A_89 : i32 to index
        %parallel_loop3A_91 = tpu.vector_load %arg8[%parallel_loop3A_90] {strides = array<i32>} : memref<8192xi32, #tpu.memory_space<vmem>>, vector<16xi32>,
        %parallel_loop3A_92 = arith.cmpi sge, %parallel_loop3A_91, %broadcast_in_dim3A_3 : vector<16xi32>
        %parallel_loop3A_93 = arith.subi %parallel_loop3A_91, %broadcast_in_dim3A_3 : vector<16xi32>
        %parallel_loop3A_94 = tpu.vector_load_idx %arg7[%parallel_loop3A_93] masked %parallel_loop3A_92 : memref<49953xf32, #tpu.memory_space<vmem>>[vector<16xi32>], vector<16xf32>, vector<16xi1>
        %parallel_loop3A_95 = arith.mulf %parallel_loop3A_94, %get3A_58 : vector<16xf32>
        %parallel_loop3A_96 = arith.constant 0.000000e+00 : f32
        %parallel_loop3A_97 = vector.broadcast %parallel_loop3A_96 : f32 to vector<16xf32>
        %parallel_loop3A_98 = arith.select %parallel_loop3A_92, %parallel_loop3A_95, %parallel_loop3A_97 : vector<16xi1>, vector<16xf32>
        %parallel_loop3A_99 = arith.constant 8192 : i32
        %parallel_loop3A_100 = arith.addi %parallel_loop3A_99, %parallel_loop3A_89 : i32
        %parallel_loop3A_101 = arith.index_cast %parallel_loop3A_100 : i32 to index
        %parallel_loop3A_102 = tpu.vector_load %arg9[%parallel_loop3A_101] {strides = array<i32>} : memref<16384xf32, #tpu.memory_space<vmem>>, vector<16xf32>,
        tpu.vector_store %arg9[%parallel_loop3A_101], %parallel_loop3A_98 {add = true, strides = array<i32>} : memref<16384xf32, #tpu.memory_space<vmem>>, vector<16xf32>,
      } {sc.loop_unroll_factor = 4 : i64, sc.parallel_access}
      %lt3A_84 = arith.constant 25 : i32
      %lt3A_85 = arith.cmpi slt, %scan3A_55, %lt3A_84 : i32
      %convert_element_type3A_86 = arith.extui %lt3A_85 : i1 to i32
      %cond3A_87 = arith.constant 0 : i32
      %cond3A_88 = arith.cmpi ne, %convert_element_type3A_86, %cond3A_87 : i32
      scf.if %cond3A_88 {
        %add3A_89 = arith.constant 1 : i32
        %add3A_90 = arith.addi %scan3A_55, %add3A_89 : i32
        %dma_start3A_91 = arith.constant 50048 : i32
        %dma_start3A_92 = tpu.memref_slice %arg4[%add3A_90, %add3A_31, %dma_start3A_91] : memref<26x64x100001xf32, #tpu.memory_space<hbm>> -> memref<1x1x49953xf32, #tpu.memory_space<hbm>>
        %dma_start3A_93 = tpu.memref_squeeze %dma_start3A_92 : memref<1x1x49953xf32, #tpu.memory_space<hbm>> -> memref<49953xf32, #tpu.memory_space<hbm>>
        %dma_start3A_94 = arith.constant 50048 : i32
        %dma_start3A_95 = tpu.memref_slice %arg4[%add3A_90, %add3A_31, %dma_start3A_94] : memref<26x64x100001xf32, #tpu.memory_space<hbm>> -> memref<1x1x49953xf32, #tpu.memory_space<hbm>>
        %dma_start3A_96 = tpu.memref_squeeze %dma_start3A_95 : memref<1x1x49953xf32, #tpu.memory_space<hbm>> -> memref<49953xf32, #tpu.memory_space<hbm>>
        tpu.enqueue_dma source(%dma_start3A_96 : memref<49953xf32, #tpu.memory_space<hbm>>) target(%arg7 : memref<49953xf32, #tpu.memory_space<vmem>>) target_semaphore(%arg12 : memref<!tpu.dma_semaphore, #tpu.memory_space<semaphore_mem>>)
      } else {
      }
    }
    %scan3A_54 = arith.constant 26 : i32
    "tpu.region"() ({
      %run_scoped3A = tpu.sem_alloc : memref<!tpu.dma_semaphore, #tpu.memory_space<semaphore_mem>>
      %dma_start3A_55 = arith.constant 0 : i32
      %dma_start3A_56 = tpu.memref_slice %arg5[%add3A_31, %dma_start3A_55] : memref<64x16384xf32, #tpu.memory_space<hbm>> -> memref<1x16384xf32, #tpu.memory_space<hbm>>
      %dma_start3A_57 = tpu.memref_squeeze %dma_start3A_56 : memref<1x16384xf32, #tpu.memory_space<hbm>> -> memref<16384xf32, #tpu.memory_space<hbm>>
      %dma_start3A_58 = arith.constant 0 : i32
      %dma_start3A_59 = tpu.memref_slice %arg5[%add3A_31, %dma_start3A_58] : memref<64x16384xf32, #tpu.memory_space<hbm>> -> memref<1x16384xf32, #tpu.memory_space<hbm>>
      %dma_start3A_60 = tpu.memref_squeeze %dma_start3A_59 : memref<1x16384xf32, #tpu.memory_space<hbm>> -> memref<16384xf32, #tpu.memory_space<hbm>>
      tpu.enqueue_dma source(%arg9 : memref<16384xf32, #tpu.memory_space<vmem>>) target(%dma_start3A_60 : memref<16384xf32, #tpu.memory_space<hbm>>) target_semaphore(%run_scoped3A : memref<!tpu.dma_semaphore, #tpu.memory_space<semaphore_mem>>)
      %dma_wait3A = arith.constant 0 : i32
      %dma_wait3A_61 = tpu.memref_slice %arg5[%add3A_31, %dma_wait3A] : memref<64x16384xf32, #tpu.memory_space<hbm>> -> memref<1x16384xf32, #tpu.memory_space<hbm>>
      %dma_wait3A_62 = tpu.memref_squeeze %dma_wait3A_61 : memref<1x16384xf32, #tpu.memory_space<hbm>> -> memref<16384xf32, #tpu.memory_space<hbm>>
      %dma_wait3A_63 = arith.constant 0 : i32
      %dma_wait3A_64 = tpu.memref_slice %arg5[%add3A_31, %dma_wait3A_63] : memref<64x16384xf32, #tpu.memory_space<hbm>> -> memref<1x16384xf32, #tpu.memory_space<hbm>>
      %dma_wait3A_65 = tpu.memref_squeeze %dma_wait3A_64 : memref<1x16384xf32, #tpu.memory_space<hbm>> -> memref<16384xf32, #tpu.memory_space<hbm>>
      tpu.wait_dma2 semaphore(%run_scoped3A : memref<!tpu.dma_semaphore, #tpu.memory_space<semaphore_mem>>) src(%arg9 : memref<16384xf32, #tpu.memory_space<vmem>>) dst(%dma_wait3A_65 : memref<16384xf32, #tpu.memory_space<hbm>>)
      tpu.yield
    }) : () -> ()
    return
  }
}

</mosaic_0001>

<sc_bundles>
// kernel: _run.3.cloned.1.call-start
scs
__scs_entry_jumppad:
0x0: {  	(pc) =	sbr.rel $0x88, $3  }
0x1: {  	(tag) =	ssettag $0x0;
	lr =	simm.s32 $0x1  }
0x2: {  	[smem:$0x3F9E] =	sst lr;
	_ =	strace $0xD0000000  }
0x3: {  	_ = 	snop  }
0x4: {  	_ = 	snop  }
0x5: {  	_ = 	snop  }
0x6: {  	_ = 	snop  }
0x7: {  	_ = 	snop  }
__scs_overlays_trampoline_lowered:
0x8: {  	[smem:$0x3FAD] =	sst s0  }
0x9: {  	[smem:$0x3FAE] =	sst s1  }
0xa: {  	[smem:$0x3FAF] =	sst s2  }
0xb: {  	[smem:$0x3FB0] =	sst s3  }
0xc: {  	[smem:$0x3FB1] =	sst s4  }
0xd: {  	[smem:$0x3FB2] =	sst s5  }
0xe: {  	[smem:$0x3FB3] =	sst s6  }
0xf: {  	[smem:$0x3FB4] =	sst s7  }
0x10: {  	[smem:$0x3FB5] =	sst s8  }
0x11: {  	[smem:$0x3FB6] =	sst s9;
	s0 =	simm.s32 @!p0 $0x0  }
0x12: {  	s1 =	sld [smem:$0x3F9C];
	s0 =	simm.s32 @p0 $0x1  }
0x13: {  	[smem:$0x3FB7] =	sst s0;
	s0 =	simm.s32 @!p1 $0x0  }
0x14: {  	s2 =	sld [smem:$0x3F9B];
	s0 =	simm.s32 @p1 $0x1  }
0x15: {  	[smem:$0x3FB8] =	sst s0;
	s0 =	simm.s32 @!p2 $0x0  }
0x16: {  	s3 =	sld [smem:$0x3FDB];
	s0 =	simm.s32 @p2 $0x1  }
0x17: {  	s4 =	simm.s32 $0x1BF5;
	[smem:$0x3FBA] =	sst s0  }
0x18: {  	s0 =	sld [smem:$0x3F9D];
	_ =	swait.ge [sflag:s4], $0x0  }
0x19: {  	s7 =	sld [smem:$0x3F9E]  }
0x1a: {  	s8 =	sadd.s32 $0xFFFFE003, lr  }
0x1b: {  	s9 =	sadd.s32 $0xFFFFFEF7, lr;
	s5 =	simm.s32 $0xFFFFFFFF;
	p2 =	slt.u32 s8, $0xFFFFF086  }
0x1c: {  	p1 =	slt.u32 s9, $0xF7A;
	s5 =	simm.s32 @!p2 $0x0  }
0x1d: {  	s5 =	simm.s32 @p1 $0x1;
	p0 =	seq.s32 s7, s2  }
0x1e: {  	s7 =	smul.u32 @!p0 $0xF7A, s2;
	p2 =	seq.s32 @!p0 s5, $0x0  }
0x1f: {  	s9 =	smul.u32 $0xF7A, s1;
	s8 =	simm.s32 @!p0 $0x1BF5;
	p2 =	por !p2, p0  }
0x20: {  	[sflag:s8] =	ssyncset.s32 @!p0 $0xFFFFF086;
	s6 =	sadd.s32 @!p0 s3, s7;
	s7 =	simm.s32 @!p0 $0x108  }
0x21: {  	s3 =	sadd.s32 s3, s9;
	s6 =	sadd.s32 @!p0 $0x88, s6;
	s7 =	simm.s32 @p2 $0x1082  }
0x22: {  	[simem:s7], [sflag:s8] =	dma.local @!p0 [hbm:s6], $0xF7A  }
0x23: {  	s9 =	sor.u32 $0xD0000000, s2;
	s6 =	simm.s32 $0x108;
	_ =	swait.ge @!p0 [sflag:s8], $0x0  }
0x24: {  	s3 =	sadd.s32 $0x88, s3;
	s6 =	simm.s32 @!p1 $0x1082;
	[sflag:s4] =	ssyncset.s32 $0xFFFFF086  }
0x25: {  	[simem:s6], [sflag:s4] =	dma.local [hbm:s3], $0xF7A  }
0x26: {  	[smem:$0x3F9E] =	sst s1;
	(tag) =	ssettag s2;
	_ =	strace s9  }
0x27: {  	s1 =	sld [smem:$0x3FAE]  }
0x28: {  	s2 =	sld [smem:$0x3FAF]  }
0x29: {  	s4 =	sld [smem:$0x3FB1]  }
0x2a: {  	p0 =	seq.s32 s5, $0x0;
	s5 =	sld [smem:$0x3FB2]  }
0x2b: {  	s6 =	sld [smem:$0x3FB3]  }
0x2c: {  	s7 =	sld [smem:$0x3FB4]  }
0x2d: {  	s3 =	simm.s32 $0x108;
	s8 =	sld [smem:$0x3FB5]  }
0x2e: {  	s3 =	simm.s32 @!p0 $0x1082;
	s9 =	sld [smem:$0x3FB6]  }
0x2f: {  	lr =	sadd.s32 s0, s3;
	s0 =	sld [smem:$0x3FAD]  }
0x30: {  	s3 =	sld [smem:$0x3FB0]  }
0x31: {  	[smem:$0x3FB9] =	sst s10  }
0x32: {  	s10 =	sld [smem:$0x3FB7];
	_ =	sdelay $0x3  }
0x33: {  	p0 =	seq.s32 s10, $0x1;
	s10 =	sld [smem:$0x3FB9];
	_ =	sdelay $0x3  }
0x34: {  	[smem:$0x3FB9] =	sst s10  }
0x35: {  	s10 =	sld [smem:$0x3FB8];
	_ =	sdelay $0x3  }
0x36: {  	p1 =	seq.s32 s10, $0x1;
	s10 =	sld [smem:$0x3FB9];
	_ =	sdelay $0x3  }
0x37: {  	[smem:$0x3FB9] =	sst s10  }
0x38: {  	s10 =	sld [smem:$0x3FBA]  }
0x39: {  	_ = 	snop;
	(pc) =	sbr.ind lr, $3  }
0x3a: {  	_ = 	snop  }
0x3b: {  	_ = 	snop  }
0x3c: {  	p2 =	seq.s32 s10, $0x1;
	s10 =	sld [smem:$0x3FB9]  }
0x3d: {  	_ =	shalt  }
0x3e: {  	_ =	shalt  }
0x3f: {  	_ =	shalt  }
0x40: {  	_ =	shalt  }
0x41: {  	_ =	shalt  }
0x42: {  	_ =	shalt  }
0x43: {  	_ =	shalt  }
0x44: {  	_ =	shalt  }
0x45: {  	_ =	shalt  }
0x46: {  	_ =	shalt  }
0x47: {  	_ =	shalt  }
0x48: {  	_ =	shalt  }
0x49: {  	_ =	shalt  }
0x4a: {  	_ =	shalt  }
0x4b: {  	_ =	shalt  }
0x4c: {  	_ =	shalt  }
0x4d: {  	_ =	shalt  }
0x4e: {  	_ =	shalt  }
0x4f: {  	_ =	shalt  }
0x50: {  	_ =	shalt  }
0x51: {  	_ =	shalt  }
0x52: {  	_ =	shalt  }
0x53: {  	_ =	shalt  }
0x54: {  	_ =	shalt  }
0x55: {  	_ =	shalt  }
0x56: {  	_ =	shalt  }
0x57: {  	_ =	shalt  }
0x58: {  	_ =	shalt  }
0x59: {  	_ =	shalt  }
0x5a: {  	_ =	shalt  }
0x5b: {  	_ =	shalt  }
0x5c: {  	_ =	shalt  }
0x5d: {  	_ =	shalt  }
0x5e: {  	_ =	shalt  }
0x5f: {  	_ =	shalt  }
0x60: {  	_ =	shalt  }
0x61: {  	_ =	shalt  }
0x62: {  	_ =	shalt  }
0x63: {  	_ =	shalt  }
0x64: {  	_ =	shalt  }
0x65: {  	_ =	shalt  }
0x66: {  	_ =	shalt  }
0x67: {  	_ =	shalt  }
0x68: {  	_ =	shalt  }
0x69: {  	_ =	shalt  }
0x6a: {  	_ =	shalt  }
0x6b: {  	_ =	shalt  }
0x6c: {  	_ =	shalt  }
0x6d: {  	_ =	shalt  }
0x6e: {  	_ =	shalt  }
0x6f: {  	_ =	shalt  }
0x70: {  	_ =	shalt  }
0x71: {  	_ =	shalt  }
0x72: {  	_ =	shalt  }
0x73: {  	_ =	shalt  }
0x74: {  	_ =	shalt  }
0x75: {  	_ =	shalt  }
0x76: {  	_ =	shalt  }
0x77: {  	_ =	shalt  }
0x78: {  	_ =	shalt  }
0x79: {  	_ =	shalt  }
0x7a: {  	_ =	shalt  }
0x7b: {  	_ =	shalt  }
0x7c: {  	_ =	shalt  }
0x7d: {  	_ =	shalt  }
0x7e: {  	_ =	shalt  }
0x7f: {  	_ =	shalt  }
0x80: {  	_ =	shalt  }
0x81: {  	_ =	shalt  }
0x82: {  	_ =	shalt  }
0x83: {  	_ =	shalt  }
0x84: {  	_ =	shalt  }
0x85: {  	_ =	shalt  }
0x86: {  	_ =	shalt  }
0x87: {  	_ =	shalt  }
.Lfunc_end0:
.L_simem_size_0:
called_computation_lowered:
.L_overlay_start_0:
0x88: {  	s2 =	sld [smem:$0x3FD9]  }
0x89: {  	s3 =	sld [smem:$0x3FFE];
	_ =	sdelay $0x1  }
0x8a: {  	s1 =	srdreg.scid  }
0x8b: {  	s0 =	sand.u32 $0x1, s1  }
0x8c: {  	s18 =	sshll.u32 s0, $0xA;
	s2 =	sadd.s32 s3, s2  }
0x8d: {  	s2 =	sadd.s32 s2, s18  }
0x8e: {  	[smem:$0x3FC5] =	sst s2  }
0x8f: {  	_ = 	snop  }
0x90: {  	s2 =	sld [smem:$0x3FC9]  }
0x91: {  	s19 =	sld [smem:$0x3FC8]  }
0x92: {  	s4 =	sld [smem:$0x3FC7]  }
0x93: {  	s5 =	sld [smem:$0x3FD0];
	(tm) =	ssettm $0x1  }
0x94: {  	s6 =	sld [smem:$0x3FFB];
	_ =	sdelay $0x3  }
0x95: {  	_ =	strace s6  }
0x96: {  	s6 =	sld [smem:$0x3FFC];
	_ =	sdelay $0x3  }
0x97: {  	_ =	strace s6  }
0x98: {  	s6 =	sld [smem:$0x3FFD];
	_ =	sdelay $0x3  }
0x99: {  	_ =	strace s6  }
0x9a: {  	_ =	strace $0x8FFFFFFF  }
0x9b: {  	s20 =	sld [smem:$0x3FDB];
	_ =	sdelay $0x1  }
0x9c: {  	s7 =	simm.s32 $_scs_section_size  }
0x9d: {  	s8 =	simm.s32 $_size__tile_overlayer_lowered;
	s9 =	simm.s32 $_tile_overlayer_lowered  }
0x9e: {  	s23 =	simm.s32 $0x1BFF;
	s22 =	sshll.u32 s9, $0x1;
	s6 =	sadd.s32 s7, s20  }
0x9f: {  	s10 =	simm.s32 $0x0;
	s21 =	sshll.u32 s8, $0x1;
	s8 =	sadd.s32 s22, s6  }
0xa0: {  	[timem:s10], [sflag:s23] =	dma.local [hbm:s8], s21  }
0xa1: {  	_ =	swait.ge [sflag:s23], s21  }
0xa2: {  	s7 =	ssub.s32 $0x0, s21;
	[sflag:s23] =	ssyncset.done $0x0  }
0xa3: {  	[sflag:s23] =	ssyncadd.s32 s7;
	_ =	sdelay $0x1  }
0xa4: {  	s24 =	simm.s32 $0x1B8B  }
0xa5: {  	_ =	swait.ge [sflag:s24], $0x1  }
0xa6: {  	[sflag:s24] =	ssyncset.done $0x0  }
0xa7: {  	s25 =	simm.s32 $0x1B8E;
	[sflag:s24] =	ssyncadd.s32 $0xFFFFFFFF  }
0xa8: {  	s26 =	simm.s32 $execute0_lowered;
	[smem:$0x3FD2] =	sst s25  }
0xa9: {  	s7 =	sshll.u32 s26, $0x1;
	_ =	strace $0x80000046;
	[dreg:$0x1] =	wrdreg $0xFFFFFFFF  }
0xaa: {  	s28 =	simm.s32 $_size_execute0_lowered;
	s6 =	sadd.s32 s6, s7;
	[dreg:$0x0] =	wrdreg $0x0  }
0xab: {  	s7 =	sshll.u32 s28, $0x1;
	[dreg:$0x2] =	wrdreg s6  }
0xac: {  	[dreg:$0x3] =	wrdreg s7  }
0xad: {  	[dreg:$0x4] =	wrdreg $0xC0  }
0xae: {  	_ =	task [dreg:s10], $0x5FFFF  }
0xaf: {  	[dreg:$0x1] =	wrdreg $0xFFFFFFFF  }
0xb0: {  	[dreg:$0x0] =	wrdreg $0x60  }
0xb1: {  	[dreg:$0x2] =	wrdreg s2  }
0xb2: {  	[dreg:$0x3] =	wrdreg s19  }
0xb3: {  	[dreg:$0x4] =	wrdreg s4  }
0xb4: {  	[dreg:$0x5] =	wrdreg s5  }
0xb5: {  	[dreg:$0x6] =	wrdreg $0x9  }
0xb6: {  	_ =	task.clear_ibuf [dreg:s10], $0x7FFFF;
	_ =	strace $0x90000046  }
0xb7: {  	s29 =	simm.s32 $0x9;
	_ =	strace $0x80000048  }
0xb8: {  	_ =	swait.ge [sflag:s29], $0x1  }
0xb9: {  	[sflag:s29] =	ssyncadd.s32 $0xFFFFFFFF  }
0xba: {  	_ =	strace $0x90000048  }
0xbb: {  	_ =	sfence  }
0xbc: {  	s30 =	sld [smem:$0x0];
	_ =	sdelay $0x2  }
0xbd: {  	s31 =	sshll.u32 s1, $0xD;
	s1 =	sshrl.u32 s1, $0x2  }
0xbe: {  	s3 =	sand.u32 $0x4000, s31;
	s1 =	sadd.s32 s1, s30  }
0xbf: {  	s0 =	sor.u32 s3, s0;
	s1 =	sshll.u32 s1, $0x11  }
0xc0: {  	s0 =	sor.u32 s1, s0  }
0xc1: {  	s0 =	sadd.s32 $0x8F2B, s0  }
0xc2: {  	[sflag:s0] =	ssyncadd.remote.s32 $0x1  }
0xc3: {  	_ =	sfence.sel $0xFFFF  }
0xc4: {  	[dreg:$0x0] =	wrdreg $0xFFFFFFFF;
	(pc) =	sbr.abs _section_cstart, $3  }
0xc5: {  	[dreg:$0x1] =	wrdreg $0xFFFFFFFF  }
0xc6: {  	_ =	task.clear_ibuf [dreg:s10], $0x2FFFF;
	_ =	strace $0x9FFFFFFF  }
0xc7: {  	(tm) =	ssettm $0x7FFFFFFF  }
tec
execute0_lowered:
.L_overlay_start_1:
0x0: {  	(tag) =	ssettag $0x1  }
0x1: {  	s1 =	rddreg [dreg:$0x0]  }
0x2: {  	s3 =	rddreg [dreg:$0x2]  }
0x3: {  	s0 =	rddreg [dreg:$0x3]  }
0x4: {  	s5 =	simm.s32 $0x0;
	s2 =	srdreg.scid;
	s6 =	stileid.u32  }
0x5: {  	s19 =	simm.s32 $0x3;
	s20 =	simm.s32 $0x80;
	s21 =	simm.s32 $0x400  }
0x6: {  	s22 =	simm.s32 $0xC380;
	s23 =	simm.s32 $0x1;
	s28 =	simm.s32 $0x0  }
0x7: {  	s2 =	sand.u32 $0x1, s2;
	s4 =	sshll.u32 s6, $0x9;
	s6 =	sshrl.u32 s6, $0x1  }
0x8: {  	[smem:$0x7FF] =	sst s5;
	s7 =	sshll.u32 s2, $0x8;
	s11 =	smul.u32 $0xC3800, s6  }
0x9: {  	s4 =	sand.u32 $0x200, s4;
	_ =	strace $0x80000047;
	s2 =	ssub.s32 $0x2, s2  }
0xa: {  	s6 =	sshll.u32 s6, $0x11;
	s4 =	sor.u32 s7, s4;
	s8 =	sshrl.u32 s2, $0x1  }
0xb: {  	s7 =	sor.u32 s11, s4;
	s12 =	sadd.s32 $0x61C00, s11;
	s2 =	ssub.s32 s2, s8  }
0xc: {  	s8 =	sadd.s32 $0x2000, s1;
	s25 =	sadd.s32 $0x61C000, s11;
	s15 =	sadd.s32 $0x67DC00, s11  }
0xd: {  	s13 =	sor.u32 s6, s4;
	s7 =	sshrl.u32 s7, $0x3;
	s9 =	sor.u32 s4, s12  }
0xe: {  	s10 =	sor.u32 s4, s15;
	s13 =	sshrl.u32 s13, $0x3;
	s17 =	smax.u32 s2, $0x1  }
0xf: {  	s7 =	sadd.s32 s3, s7;
	s24 =	sshrl.u32 s9, $0x3;
	s9 =	sor.u32 s4, s25  }
0x10: {  	s4 =	sor.u32 $0x80, s4;
	s26 =	sadd.s32 s0, s13;
	[dreg:$0x5] =	wrdreg s7  }
0x11: {  	s7 =	sadd.s32 s3, s24;
	s14 =	sor.u32 s11, s4;
	s12 =	sor.u32 s12, s4  }
.Ltmp0:
0x12: {  	[dreg:$0x7] =	wrdreg s26;
	s6 =	sor.u32 s6, s4;
	(pc) =	sbr.rel .LBB2_1-.Ltmp0, $4  }
0x13: {  	s15 =	sor.u32 s4, s15;
	s24 =	simm.s32 $0x18700;
	s26 =	simm.s32 $0x1A700  }
0x14: {  	[dreg:$0x6] =	wrdreg s7;
	s29 =	sshrl.u32 s14, $0x3;
	s30 =	sshrl.u32 s12, $0x3  }
0x15: {  	s14 =	sor.u32 s4, s25;
	s31 =	sshrl.u32 s6, $0x3;
	s25 =	simm.s32 $0x2  }
0x16: {  	v0 =	vimm.f32 $0.0e+00;
	s12 =	sadd.s32 s3, s29;
	s13 =	sadd.s32 s3, s30;
	s16 =	sadd.s32 s0, s31  }
.LBB2_27:
0x17: {  	s28 =	sadd.s32 $0x1, s28  }
0x18: {  	p0 =	sne.s32 s28, s17  }
.Ltmp1:
0x19: {  	_ = 	snop;
	(pc) =	sbr.rel @!p0 .LBB2_28-.Ltmp1, $4  }
0x1a: {  	[hbm4b:s16+s20] =	stream.strided.scatter [tilespmem:s26], [sflag:$0x3], $0x4000, s21, s20, $0x38;
	[tilespmem:$0x1E900] =	vst v63  }
0x1b: {  	_ =	swait.ge [sflag:s19], $0x4000  }
0x1c: {  	[sflag:s19] =	ssyncset.done $0x0  }
0x1d: {  	[sflag:s19] =	ssyncadd.s32 $0xFFFFC000  }
.LBB2_1:
0x1e: {  	s0 =	rddreg [dreg:$0x1];
	s2 =	simm.s32 $0x1E700  }
0x1f: {  	[tilespmem:s2], [sflag:$0x3] =	stream.linear.gather [hbm4b:s0+s5], $0x200, $0x38;
	[tilespmem:$0x1E900] =	vst v63  }
0x20: {  	_ =	swait.ge [sflag:s19], $0x200  }
0x21: {  	[sflag:s19] =	ssyncset.done $0x0  }
0x22: {  	s0 =	simm.s32 $0x1A740;
	[sflag:s19] =	ssyncadd.s32 $0xFFFFFE00  }
0x23: {  	[tilespmem:s0+$0xFFFFFFC0] =	vst v0  }
0x24: {  	[tilespmem:s0+$0x30] =	vst v0  }
0x25: {  	[tilespmem:s0+$0x20] =	vst v0  }
0x26: {  	[tilespmem:s0+$0x10] =	vst v0  }
0x27: {  	[tilespmem:s0+$0x0] =	vst v0  }
0x28: {  	[tilespmem:s0+$0xFFFFFFF0] =	vst v0  }
0x29: {  	s2 =	simm.s32 $0x0;
	[tilespmem:s0+$0xFFFFFFE0] =	vst v0  }
.LBB2_2:
0x2a: {  	s2 =	sadd.s32 $0x80, s2;
	[tilespmem:s0+$0xFFFFFFD0] =	vst v0;
	s0 =	sadd.s32 $0x80, s0  }
0x2b: {  	[tilespmem:s0+$0xFFFFFFC0] =	vst v0;
	p0 =	slt.u32 s2, $0x3F80  }
0x2c: {  	[tilespmem:s0+$0x30] =	vst v0  }
.Ltmp2:
0x2d: {  	[tilespmem:s0+$0x20] =	vst v0;
	(pc) =	sbr.rel @p0 .LBB2_2-.Ltmp2, $4  }
0x2e: {  	[tilespmem:s0+$0x10] =	vst v0  }
0x2f: {  	[tilespmem:s0+$0x0] =	vst v0  }
0x30: {  	[tilespmem:s0+$0xFFFFFFF0] =	vst v0  }
0x31: {  	[tilespmem:s0+$0xFFFFFFE0] =	vst v0  }
0x32: {  	[tilespmem:s0+$0xFFFFFFD0] =	vst v0  }
0x33: {  	s29 =	simm.s32 $0x0;
	s0 =	rddreg [dreg:$0x5]  }
0x34: {  	[tilespmem:s29], [sflag:$0x1] =	stream.strided.gather [hbm4b:s0+s20], $0xC380, s21, s20, $0x38;
	[tilespmem:$0x1E900] =	vst v63  }
0x35: {  	s31 =	rddreg [dreg:$0x6]  }
0x36: {  	[tilespmem:s22], [sflag:$0x2] =	stream.strided.gather [hbm4b:s31+s20], $0xC380, s21, s20, $0x38;
	[tilespmem:$0x1E900] =	vst v63  }
.LBB2_4:
0x37: {  	s0 =	sshll.u32 s29, $0x4  }
0x38: {  	s7 =	sshll.u32 s29, $0xB;
	s2 =	sand.u32 $0x3FFFFFF0, s0  }
0x39: {  	s0 =	sand.u32 $0x70, s0;
	v1 =	vld [tilespmem:s2+$0x1E700];
	_ =	swait.ge [sflag:s23], $0xC380;
	s2 =	sand.u32 $0xC000, s7  }
0x3a: {  	[sflag:s23] =	ssyncset.done $0x0;
	s30 =	sor.u32 s0, s2  }
0x3b: {  	[sflag:s23] =	ssyncadd.s32 $0xFFFF3C80;
	s31 =	sadd.s32 s1, s30  }
0x3c: {  	[tilespmem:s24], [sflag:$0x3] =	stream.strided.gather [hbm4b:s31+s20], $0x2000, s21, s20, $0x38;
	[tilespmem:$0x1E900] =	vst v63  }
0x3d: {  	_ =	swait.ge [sflag:s19], $0x2000  }
0x3e: {  	[sflag:s19] =	ssyncset.done $0x0  }
0x3f: {  	s11 =	simm.s32 $0x18720;
	[sflag:s19] =	ssyncadd.s32 $0xFFFFE000  }
0x40: {  	v2 =	vld [tilespmem:s11+$0x10];
	_ =	sdelay $0x2  }
0x41: {  	v5 =	vld [tilespmem:s11+$0xFFFFFFE0]  }
0x42: {  	v6 =	vld [tilespmem:s11+$0xFFFFFFF0]  }
0x43: {  	v7 =	vld [tilespmem:s11+$0x0];
	vm0 =	vlt.s32 v2, $0xC380;
	_ =	sdelay $0x2  }
0x44: {  	s18 =	simm.s32 $0x18760;
	vm1 =	vlt.s32 v5, $0xC380  }
0x45: {  	v9 =	vld [tilespmem:s18+$0x10];
	vm2 =	vlt.s32 v6, $0xC380  }
0x46: {  	v3 =	vld [tilespmem:s18+$0x0];
	vm5 =	vlt.s32 v7, $0xC380  }
0x47: {  	v8 =	vld.idx.msk [tilespmem:v2+s5+$0x0], vm0  }
0x48: {  	v4 =	vld [tilespmem:s18+$0xFFFFFFE0]  }
0x49: {  	v2 =	vld [tilespmem:s18+$0xFFFFFFF0]  }
0x4a: {  	vm7 =	vlt.s32 v9, $0xC380;
	v10 =	vld.idx.msk [tilespmem:v5+s5+$0x0], vm1  }
0x4b: {  	v11 =	vld.idx.msk [tilespmem:v6+s5+$0x0], vm2  }
0x4c: {  	v5 =	vld.idx.msk [tilespmem:v7+s5+$0x0], vm5;
	v6 =	vmul.f32 v8, v1  }
0x4d: {  	vm6 =	vlt.s32 v4, $0xC380;
	vm0 =	vmmov vm0  }
0x4e: {  	s0 =	simm.s32 $0x1A730;
	vm4 =	vmmov vm1;
	vm3 =	vmmov vm2;
	v6 =	vnsel vm0, $0x0, v6  }
0x4f: {  	vm1 =	vmmov vm5;
	vm5 =	vmmov vm7;
	v8 =	vmul.f32 v10, v1;
	[tilespmem:s0+$0x0] =	vst.add.f32.msk $0xffff, v6  }
0x50: {  	s4 =	simm.s32 $0x40;
	s6 =	simm.s32 $0x187A0;
	s2 =	simm.s32 $0x1A730;
	vm2 =	vlt.s32 v2, $0xC380;
	v7 =	vmul.f32 v11, v1;
	vm0 =	vlt.s32 v3, $0xC380;
	v6 =	vld.idx.msk [tilespmem:v9+s5+$0x0], vm7  }
.LBB2_5:
0x51: {  	v9 =	vld [tilespmem:s6+$0x10];
	s4 =	sadd.s32 $0x40, s4;
	v8 =	vnsel vm4, $0x0, v8;
	v5 =	vmul.f32 v5, v1;
	vm4 =	vmmov vm6  }
0x52: {  	v10 =	vld [tilespmem:s6+$0xFFFFFFF0];
	p0 =	slt.u32 s4, $0x1FC0;
	v7 =	vnsel vm3, $0x0, v7;
	vm3 =	vmmov vm2  }
0x53: {  	v11 =	vld [tilespmem:s6+$0x0];
	v12 =	vnsel vm1, $0x0, v5;
	vm1 =	vmmov vm0  }
0x54: {  	v13 =	vld [tilespmem:s6+$0xFFFFFFE0]  }
0x55: {  	v14 =	vld.idx.msk [tilespmem:v4+s5+$0x0], vm6  }
0x56: {  	v16 =	vmul.f32 v6, v1;
	vm7 =	vlt.s32 v9, $0xC380;
	v15 =	vld.idx.msk [tilespmem:v2+s5+$0x0], vm2  }
0x57: {  	vm2 =	vlt.s32 v10, $0xC380;
	v5 =	vld.idx.msk [tilespmem:v3+s5+$0x0], vm0;
	v2 =	vmov v10  }
.Ltmp3:
0x58: {  	s2 =	sadd.s32 $0x40, s2;
	v6 =	vnsel vm5, $0x0, v16;
	vm5 =	vmmov vm7;
	vm0 =	vlt.s32 v11, $0xC380;
	[tilespmem:s0+$0xFFFFFFD0] =	vst.add.f32.msk $0xffff, v8;
	v3 =	vmovc v11;
	(pc) =	sbr.rel @p0 .LBB2_5-.Ltmp3, $4  }
0x59: {  	vm6 =	vlt.s32 v13, $0xC380;
	[tilespmem:s2+$0x0] =	vst.add.f32.msk $0xffff, v6;
	v4 =	vmov v13  }
0x5a: {  	[tilespmem:s0+$0xFFFFFFE0] =	vst.add.f32.msk $0xffff, v7  }
0x5b: {  	v8 =	vmul.f32 v14, v1;
	[tilespmem:s0+$0xFFFFFFF0] =	vst.add.f32.msk $0xffff, v12;
	s0 =	smov.u32 s2  }
0x5c: {  	s6 =	sadd.s32 $0x40, s6;
	v7 =	vmul.f32 v15, v1;
	v6 =	vld.idx.msk [tilespmem:v9+s5+$0x0], vm7  }
0x5d: {  	_ =	sdelay $0x4  }
0x5e: {  	v4 =	vld.idx.msk [tilespmem:v4+s5+$0x0], vm6  }
0x5f: {  	v2 =	vld.idx.msk [tilespmem:v2+s5+$0x0], vm2  }
0x60: {  	v3 =	vld.idx.msk [tilespmem:v3+s5+$0x0], vm0  }
0x61: {  	v8 =	vnsel vm4, $0x0, v8;
	v5 =	vmul.f32 v5, v1  }
0x62: {  	[tilespmem:s0+$0xFFFFFFD0] =	vst.add.f32.msk $0xffff, v8;
	v7 =	vnsel vm3, $0x0, v7;
	v6 =	vmul.f32 v6, v1  }
0x63: {  	v5 =	vnsel vm1, $0x0, v5;
	[tilespmem:s0+$0xFFFFFFE0] =	vst.add.f32.msk $0xffff, v7;
	v4 =	vmul.f32 v4, v1  }
0x64: {  	s2 =	sadd.s32 $0x40, s2;
	vm3 =	vmmov vm6;
	[tilespmem:s0+$0xFFFFFFF0] =	vst.add.f32.msk $0xffff, v5;
	v2 =	vmul.f32 v2, v1;
	v6 =	vnsel vm5, $0x0, v6  }
0x65: {  	vm1 =	vmmov vm2;
	v3 =	vmul.f32 v3, v1;
	[tilespmem:s2+$0x0] =	vst.add.f32.msk $0xffff, v6;
	v4 =	vnsel vm3, $0x0, v4  }
0x66: {  	vm0 =	vmmov vm0;
	v2 =	vnsel vm1, $0x0, v2;
	[tilespmem:s2+$0xFFFFFFD0] =	vst.add.f32.msk $0xffff, v4  }
0x67: {  	v3 =	vnsel vm0, $0x0, v3;
	[tilespmem:s2+$0xFFFFFFE0] =	vst.add.f32.msk $0xffff, v2  }
0x68: {  	s30 =	sadd.s32 s30, s8;
	[tilespmem:s2+$0xFFFFFFF0] =	vst.add.f32.msk $0xffff, v3  }
0x69: {  	[tilespmem:s24], [sflag:$0x3] =	stream.strided.gather [hbm4b:s30+s20], $0x2000, s21, s20, $0x38;
	[tilespmem:$0x1E900] =	vst v63  }
0x6a: {  	_ =	swait.ge [sflag:s19], $0x2000  }
0x6b: {  	[sflag:s19] =	ssyncset.done $0x0  }
0x6c: {  	s18 =	simm.s32 $0x18720;
	[sflag:s19] =	ssyncadd.s32 $0xFFFFE000  }
0x6d: {  	v2 =	vld [tilespmem:s18+$0x10];
	_ =	sdelay $0x4  }
0x6e: {  	v3 =	vld [tilespmem:s18+$0xFFFFFFF0];
	vm0 =	vlt.s32 v2, $0xC380  }
0x6f: {  	v5 =	vld [tilespmem:s18+$0xFFFFFFE0]  }
0x70: {  	v6 =	vld [tilespmem:s18+$0x0];
	_ =	sdelay $0x1  }
0x71: {  	s4 =	simm.s32 $0x18760  }
0x72: {  	v8 =	vld [tilespmem:s4+$0x10];
	vm1 =	vlt.s32 v3, $0xC380  }
0x73: {  	vm2 =	vlt.s32 v5, $0xC380;
	v7 =	vld.idx.msk [tilespmem:v2+s5+$0x0], vm0  }
0x74: {  	vm5 =	vlt.s32 v6, $0xC380;
	_ =	sdelay $0x1  }
0x75: {  	v4 =	vld [tilespmem:s4+$0xFFFFFFF0]  }
0x76: {  	vm6 =	vlt.s32 v8, $0xC380;
	v2 =	vld [tilespmem:s4+$0xFFFFFFE0]  }
0x77: {  	v9 =	vld.idx.msk [tilespmem:v3+s5+$0x0], vm1;
	v7 =	vmul.f32 v7, v1  }
0x78: {  	vm0 =	vmmov vm0;
	v5 =	vld.idx.msk [tilespmem:v5+s5+$0x0], vm2  }
0x79: {  	s0 =	simm.s32 $0x1C730;
	v6 =	vld.idx.msk [tilespmem:v6+s5+$0x0], vm5;
	v3 =	vnsel vm0, $0x0, v7  }
0x7a: {  	vm3 =	vmmov vm1;
	[tilespmem:s0+$0x0] =	vst.add.f32.msk $0xffff, v3  }
0x7b: {  	s6 =	simm.s32 $0x40;
	s7 =	simm.s32 $0x187A0;
	vm4 =	vmmov vm2;
	vm1 =	vmmov vm5;
	vm5 =	vlt.s32 v4, $0xC380;
	v3 =	vld [tilespmem:s4+$0x0]  }
0x7c: {  	s2 =	simm.s32 $0x0;
	s18 =	simm.s32 $0x1C730;
	vm2 =	vlt.s32 v2, $0xC380;
	vm0 =	vmmov vm6;
	v7 =	vld.idx.msk [tilespmem:v8+s5+$0x0], vm6;
	v8 =	vmul.f32 v9, v1;
	s4 =	simm.s32 $0x40  }
.LBB2_7:
0x7d: {  	s6 =	sadd.s32 $0x40, s6;
	v9 =	vld [tilespmem:s7+$0x10];
	s0 =	sadd.s32 $0x40, s0  }
0x7e: {  	v5 =	vmul.f32 v5, v1;
	v10 =	vld [tilespmem:s7+$0xFFFFFFE0];
	p0 =	slt.u32 s6, $0x1FC0;
	v8 =	vnsel vm3, $0x0, v8;
	vm3 =	vmmov vm5  }
0x7f: {  	v11 =	vld [tilespmem:s7+$0xFFFFFFF0]  }
0x80: {  	v5 =	vnsel vm4, $0x0, v5;
	v6 =	vmul.f32 v6, v1;
	vm6 =	vlt.s32 v3, $0xC380;
	[tilespmem:s18+$0xFFFFFFE0] =	vst.add.f32.msk $0xffff, v8  }
0x81: {  	s11 =	sand.u32 $0x1FC0, s2;
	s2 =	smov.u32 s4;
	s4 =	smov.u32 s6;
	vm4 =	vmmov vm2;
	v8 =	vld.idx.msk [tilespmem:v4+s5+$0x0], vm5  }
0x82: {  	v7 =	vmul.f32 v7, v1;
	vm7 =	vlt.s32 v9, $0xC380;
	[tilespmem:s11+$0x1C700] =	vst.add.f32.msk $0xffff, v5;
	v5 =	vnsel vm1, $0x0, v6  }
0x83: {  	vm1 =	vmmov vm6;
	[tilespmem:s18+$0xFFFFFFF0] =	vst.add.f32.msk $0xffff, v5;
	s18 =	smov.u32 s0  }
.Ltmp4:
0x84: {  	v6 =	vnsel vm0, $0x0, v7;
	vm0 =	vmmov vm7;
	v5 =	vld.idx.msk [tilespmem:v2+s5+$0x0], vm2;
	v2 =	vmovc v10;
	v4 =	vmov v11;
	(pc) =	sbr.rel @p0 .LBB2_7-.Ltmp4, $4  }
0x85: {  	[tilespmem:s0+$0x0] =	vst.add.f32.msk $0xffff, v6  }
0x86: {  	vm2 =	vlt.s32 v2, $0xC380;
	v6 =	vld.idx.msk [tilespmem:v3+s5+$0x0], vm6  }
0x87: {  	vm5 =	vlt.s32 v4, $0xC380;
	v3 =	vld [tilespmem:s7+$0x0]  }
0x88: {  	v8 =	vmul.f32 v8, v1;
	s7 =	sadd.s32 $0x40, s7;
	v7 =	vld.idx.msk [tilespmem:v9+s5+$0x0], vm7  }
0x89: {  	_ =	sdelay $0x2  }
0x8a: {  	vm6 =	vlt.s32 v3, $0xC380;
	_ =	sdelay $0x3  }
0x8b: {  	v4 =	vld.idx.msk [tilespmem:v4+s5+$0x0], vm5  }
0x8c: {  	v2 =	vld.idx.msk [tilespmem:v2+s5+$0x0], vm2  }
0x8d: {  	v5 =	vmul.f32 v5, v1;
	v3 =	vld.idx.msk [tilespmem:v3+s5+$0x0], vm6  }
0x8e: {  	v8 =	vnsel vm3, $0x0, v8;
	v6 =	vmul.f32 v6, v1  }
0x8f: {  	s2 =	sand.u32 $0x1FC0, s2;
	v5 =	vnsel vm4, $0x0, v5;
	[tilespmem:s18+$0xFFFFFFE0] =	vst.add.f32.msk $0xffff, v8;
	v7 =	vmul.f32 v7, v1  }
0x90: {  	p0 =	seq.s32 s29, $0x19;
	[tilespmem:s2+$0x1C700] =	vst.add.f32.msk $0xffff, v5;
	v5 =	vnsel vm1, $0x0, v6;
	v4 =	vmul.f32 v4, v1  }
0x91: {  	s0 =	sadd.s32 $0x40, s0;
	s2 =	smul.u32 @!p0 $0x61C000, s29;
	vm1 =	vmmov vm5;
	[tilespmem:s18+$0xFFFFFFF0] =	vst.add.f32.msk $0xffff, v5;
	v2 =	vmul.f32 v2, v1;
	v5 =	vnsel vm0, $0x0, v7  }
0x92: {  	vm0 =	vmmov vm2;
	[tilespmem:s0+$0x0] =	vst.add.f32.msk $0xffff, v5;
	v4 =	vnsel vm1, $0x0, v4;
	v3 =	vmul.f32 v3, v1  }
0x93: {  	s4 =	sand.u32 $0x1FC0, s4;
	s2 =	sadd.s32 @!p0 s2, s9;
	vm1 =	vmmov vm6;
	v2 =	vnsel vm0, $0x0, v2;
	[tilespmem:s0+$0xFFFFFFE0] =	vst.add.f32.msk $0xffff, v4  }
0x94: {  	s6 =	simm.s32 @!p0 $0x0;
	s2 =	sshrl.u32 @!p0 s2, $0x3;
	[tilespmem:s4+$0x1C700] =	vst.add.f32.msk $0xffff, v2;
	v2 =	vnsel vm1, $0x0, v3  }
0x95: {  	s2 =	sadd.s32 @!p0 s3, s2;
	s4 =	simm.s32 @!p0 $0x400;
	[tilespmem:s0+$0xFFFFFFF0] =	vst.add.f32.msk $0xffff, v2;
	s0 =	simm.s32 @!p0 $0x80  }
0x96: {  	[tilespmem:s6], [sflag:$0x1] =	stream.strided.gather @!p0 [hbm4b:s2+s0], $0xC380, s4, s0, $0x38;
	[tilespmem:$0x1E900] =	vst v63  }
0x97: {  	_ =	swait.ge [sflag:s25], $0xC380  }
0x98: {  	[sflag:s25] =	ssyncset.done $0x0  }
0x99: {  	[sflag:s25] =	ssyncadd.s32 $0xFFFF3C80  }
0x9a: {  	[tilespmem:s24], [sflag:$0x3] =	stream.strided.gather [hbm4b:s31+s20], $0x2000, s21, s20, $0x38;
	[tilespmem:$0x1E900] =	vst v63  }
0x9b: {  	_ =	swait.ge [sflag:s19], $0x2000  }
0x9c: {  	[sflag:s19] =	ssyncset.done $0x0  }
0x9d: {  	s18 =	simm.s32 $0x18720;
	[sflag:s19] =	ssyncadd.s32 $0xFFFFE000  }
0x9e: {  	v2 =	vld [tilespmem:s18+$0x10];
	_ =	sdelay $0x1  }
0x9f: {  	v3 =	vld [tilespmem:s18+$0xFFFFFFE0]  }
0xa0: {  	v4 =	vld [tilespmem:s18+$0xFFFFFFF0]  }
0xa1: {  	v5 =	vld [tilespmem:s18+$0x0]  }
0xa2: {  	vm0 =	vgt.s32 v2, $0xC37F  }
0xa3: {  	s31 =	simm.s32 $0x18760;
	v2 =	vadd.s32 $0xFFFF3C80, v2  }
0xa4: {  	v6 =	vld [tilespmem:s31+$0x10];
	vm1 =	vgt.s32 v3, $0xC37F  }
0xa5: {  	vm2 =	vgt.s32 v4, $0xC37F;
	v3 =	vadd.s32 $0xFFFF3C80, v3  }
0xa6: {  	v7 =	vld [tilespmem:s31+$0xFFFFFFF0];
	v4 =	vadd.s32 $0xFFFF3C80, v4;
	vm5 =	vgt.s32 v5, $0xC37F  }
0xa7: {  	v8 =	vld [tilespmem:s31+$0x0];
	v5 =	vadd.s32 $0xFFFF3C80, v5  }
0xa8: {  	v2 =	vld.idx.msk [tilespmem:v2+s22+$0x0], vm0  }
0xa9: {  	v9 =	vld [tilespmem:s31+$0xFFFFFFE0];
	vm7 =	vgt.s32 v6, $0xC37F  }
0xaa: {  	v6 =	vadd.s32 $0xFFFF3C80, v6;
	v10 =	vld.idx.msk [tilespmem:v3+s22+$0x0], vm1  }
0xab: {  	v11 =	vld.idx.msk [tilespmem:v4+s22+$0x0], vm2  }
0xac: {  	vm6 =	vmmov vm0;
	vm4 =	vmmov vm1;
	vm3 =	vmmov vm2;
	v4 =	vld.idx.msk [tilespmem:v5+s22+$0x0], vm5  }
0xad: {  	vm1 =	vmmov vm5;
	vm2 =	vgt.s32 v7, $0xC37F;
	v3 =	vmul.f32 v2, v1  }
0xae: {  	vm0 =	vgt.s32 v8, $0xC37F;
	v5 =	vadd.s32 $0xFFFF3C80, v9;
	v2 =	vadd.s32 $0xFFFF3C80, v7  }
0xaf: {  	s0 =	simm.s32 $0x1A730;
	v6 =	vld.idx.msk [tilespmem:v6+s22+$0x0], vm7;
	v7 =	vnsel vm6, $0x0, v3;
	v3 =	vadd.s32 $0xFFFF3C80, v8;
	v8 =	vmul.f32 v10, v1  }
0xb0: {  	s4 =	simm.s32 $0x40;
	s6 =	simm.s32 $0x187A0;
	s2 =	simm.s32 $0x1A730;
	vm5 =	vmmov vm7;
	vm6 =	vgt.s32 v9, $0xC37F;
	[tilespmem:s0+$0x0] =	vst.add.f32.msk $0xffff, v7;
	v7 =	vmul.f32 v11, v1  }
.LBB2_9:
0xb1: {  	v9 =	vld [tilespmem:s6+$0x10];
	s4 =	sadd.s32 $0x40, s4;
	v8 =	vnsel vm4, $0x0, v8;
	v4 =	vmul.f32 v4, v1;
	vm4 =	vmmov vm6  }
0xb2: {  	v10 =	vld [tilespmem:s6+$0xFFFFFFF0];
	p1 =	slt.u32 s4, $0x1FC0;
	v7 =	vnsel vm3, $0x0, v7;
	vm3 =	vmmov vm2  }
0xb3: {  	v11 =	vld [tilespmem:s6+$0x0];
	v12 =	vnsel vm1, $0x0, v4;
	vm1 =	vmmov vm0  }
0xb4: {  	v13 =	vld [tilespmem:s6+$0xFFFFFFE0]  }
0xb5: {  	v14 =	vld.idx.msk [tilespmem:v5+s22+$0x0], vm6  }
0xb6: {  	v5 =	vmul.f32 v6, v1;
	vm7 =	vgt.s32 v9, $0xC37F;
	v15 =	vld.idx.msk [tilespmem:v2+s22+$0x0], vm2  }
0xb7: {  	v6 =	vadd.s32 $0xFFFF3C80, v9;
	vm2 =	vgt.s32 v10, $0xC37F;
	v2 =	vadd.s32 $0xFFFF3C80, v10;
	v4 =	vld.idx.msk [tilespmem:v3+s22+$0x0], vm0  }
.Ltmp5:
0xb8: {  	s2 =	sadd.s32 $0x40, s2;
	v9 =	vnsel vm5, $0x0, v5;
	vm0 =	vgt.s32 v11, $0xC37F;
	v3 =	vadd.s32 $0xFFFF3C80, v11;
	[tilespmem:s0+$0xFFFFFFD0] =	vst.add.f32.msk $0xffff, v8;
	(pc) =	sbr.rel @p1 .LBB2_9-.Ltmp5, $4  }
0xb9: {  	vm5 =	vmmov vm7;
	vm6 =	vgt.s32 v13, $0xC37F;
	v5 =	vadd.s32 $0xFFFF3C80, v13;
	[tilespmem:s2+$0x0] =	vst.add.f32.msk $0xffff, v9  }
0xba: {  	[tilespmem:s0+$0xFFFFFFE0] =	vst.add.f32.msk $0xffff, v7  }
0xbb: {  	v8 =	vmul.f32 v14, v1;
	[tilespmem:s0+$0xFFFFFFF0] =	vst.add.f32.msk $0xffff, v12;
	s0 =	smov.u32 s2  }
0xbc: {  	s6 =	sadd.s32 $0x40, s6;
	v7 =	vmul.f32 v15, v1;
	v6 =	vld.idx.msk [tilespmem:v6+s22+$0x0], vm7  }
0xbd: {  	_ =	sdelay $0x4  }
0xbe: {  	v5 =	vld.idx.msk [tilespmem:v5+s22+$0x0], vm6  }
0xbf: {  	v2 =	vld.idx.msk [tilespmem:v2+s22+$0x0], vm2  }
0xc0: {  	v3 =	vld.idx.msk [tilespmem:v3+s22+$0x0], vm0  }
0xc1: {  	v8 =	vnsel vm4, $0x0, v8;
	v4 =	vmul.f32 v4, v1  }
0xc2: {  	[tilespmem:s0+$0xFFFFFFD0] =	vst.add.f32.msk $0xffff, v8;
	v7 =	vnsel vm3, $0x0, v7;
	v6 =	vmul.f32 v6, v1  }
0xc3: {  	v4 =	vnsel vm1, $0x0, v4;
	[tilespmem:s0+$0xFFFFFFE0] =	vst.add.f32.msk $0xffff, v7;
	v5 =	vmul.f32 v5, v1  }
0xc4: {  	s2 =	sadd.s32 $0x40, s2;
	vm3 =	vmmov vm6;
	[tilespmem:s0+$0xFFFFFFF0] =	vst.add.f32.msk $0xffff, v4;
	v2 =	vmul.f32 v2, v1;
	v6 =	vnsel vm5, $0x0, v6  }
0xc5: {  	vm1 =	vmmov vm2;
	v3 =	vmul.f32 v3, v1;
	[tilespmem:s2+$0x0] =	vst.add.f32.msk $0xffff, v6;
	v4 =	vnsel vm3, $0x0, v5  }
0xc6: {  	vm0 =	vmmov vm0;
	v2 =	vnsel vm1, $0x0, v2;
	[tilespmem:s2+$0xFFFFFFD0] =	vst.add.f32.msk $0xffff, v4  }
0xc7: {  	v3 =	vnsel vm0, $0x0, v3;
	[tilespmem:s2+$0xFFFFFFE0] =	vst.add.f32.msk $0xffff, v2  }
0xc8: {  	[tilespmem:s2+$0xFFFFFFF0] =	vst.add.f32.msk $0xffff, v3  }
0xc9: {  	[tilespmem:s24], [sflag:$0x3] =	stream.strided.gather [hbm4b:s30+s20], $0x2000, s21, s20, $0x38;
	[tilespmem:$0x1E900] =	vst v63  }
0xca: {  	_ =	swait.ge [sflag:s19], $0x2000  }
0xcb: {  	[sflag:s19] =	ssyncset.done $0x0  }
0xcc: {  	s18 =	simm.s32 $0x18720;
	[sflag:s19] =	ssyncadd.s32 $0xFFFFE000  }
0xcd: {  	v2 =	vld [tilespmem:s18+$0x10];
	_ =	sdelay $0x2  }
0xce: {  	v3 =	vld [tilespmem:s18+$0xFFFFFFF0];
	_ =	sdelay $0x1  }
0xcf: {  	v4 =	vld [tilespmem:s18+$0xFFFFFFE0];
	vm0 =	vgt.s32 v2, $0xC37F  }
0xd0: {  	s31 =	simm.s32 $0x18760;
	v5 =	vld [tilespmem:s18+$0x0];
	v2 =	vadd.s32 $0xFFFF3C80, v2  }
0xd1: {  	v6 =	vld [tilespmem:s31+$0x10]  }
0xd2: {  	vm1 =	vgt.s32 v3, $0xC37F  }
0xd3: {  	v3 =	vadd.s32 $0xFFFF3C80, v3  }
0xd4: {  	vm3 =	vgt.s32 v4, $0xC37F  }
0xd5: {  	v4 =	vadd.s32 $0xFFFF3C80, v4;
	vm5 =	vgt.s32 v5, $0xC37F;
	v7 =	vld.idx.msk [tilespmem:v2+s22+$0x0], vm0  }
0xd6: {  	v8 =	vld [tilespmem:s31+$0xFFFFFFE0];
	v5 =	vadd.s32 $0xFFFF3C80, v5;
	vm6 =	vgt.s32 v6, $0xC37F  }
0xd7: {  	v9 =	vld [tilespmem:s31+$0xFFFFFFF0];
	v6 =	vadd.s32 $0xFFFF3C80, v6  }
0xd8: {  	v10 =	vld.idx.msk [tilespmem:v3+s22+$0x0], vm1  }
0xd9: {  	v2 =	vld [tilespmem:s31+$0x0]  }
0xda: {  	vm2 =	vmmov vm1;
	vm4 =	vmmov vm5;
	v4 =	vld.idx.msk [tilespmem:v4+s22+$0x0], vm3;
	v3 =	vmul.f32 v7, v1  }
0xdb: {  	vm0 =	vmmov vm0;
	vm3 =	vmmov vm3;
	v5 =	vld.idx.msk [tilespmem:v5+s22+$0x0], vm5;
	vm1 =	vmmov vm6  }
0xdc: {  	s6 =	simm.s32 $0x187A0;
	s4 =	simm.s32 $0x40;
	s0 =	simm.s32 $0x1C730;
	vm5 =	vgt.s32 v9, $0xC37F;
	v6 =	vld.idx.msk [tilespmem:v6+s22+$0x0], vm6;
	v7 =	vadd.s32 $0xFFFF3C80, v9;
	v3 =	vnsel vm0, $0x0, v3  }
0xdd: {  	s2 =	simm.s32 $0x1C730;
	s30 =	simm.s32 $0x0;
	s18 =	simm.s32 $0x40;
	vm0 =	vgt.s32 v8, $0xC37F;
	[tilespmem:s0+$0x0] =	vst.add.f32.msk $0xffff, v3;
	v3 =	vadd.s32 $0xFFFF3C80, v8;
	v8 =	vmul.f32 v10, v1  }
.LBB2_11:
0xde: {  	s18 =	sadd.s32 $0x40, s18;
	v9 =	vld [tilespmem:s6+$0x10];
	vm6 =	vgt.s32 v2, $0xC37F;
	s0 =	sadd.s32 $0x40, s0  }
0xdf: {  	v11 =	vadd.s32 $0xFFFF3C80, v2;
	v10 =	vld [tilespmem:s6+$0xFFFFFFE0];
	p1 =	slt.u32 s18, $0x1FC0;
	v2 =	vnsel vm2, $0x0, v8;
	vm2 =	vmmov vm5  }
0xe0: {  	v4 =	vmul.f32 v4, v1;
	v8 =	vld [tilespmem:s6+$0xFFFFFFF0]  }
0xe1: {  	v5 =	vmul.f32 v5, v1;
	v12 =	vld.idx.msk [tilespmem:v7+s22+$0x0], vm5  }
0xe2: {  	v4 =	vnsel vm3, $0x0, v4;
	vm3 =	vmmov vm0;
	[tilespmem:s2+$0xFFFFFFE0] =	vst.add.f32.msk $0xffff, v2  }
0xe3: {  	s7 =	sand.u32 $0x1FC0, s30;
	s30 =	smov.u32 s4;
	s4 =	smov.u32 s18;
	v6 =	vmul.f32 v6, v1;
	v5 =	vnsel vm4, $0x0, v5;
	v2 =	vld [tilespmem:s6+$0x0];
	vm7 =	vgt.s32 v9, $0xC37F  }
0xe4: {  	vm4 =	vmmov vm6;
	v9 =	vadd.s32 $0xFFFF3C80, v9;
	[tilespmem:s7+$0x1C700] =	vst.add.f32.msk $0xffff, v4  }
.Ltmp6:
0xe5: {  	v6 =	vnsel vm1, $0x0, v6;
	vm1 =	vmmov vm7;
	[tilespmem:s2+$0xFFFFFFF0] =	vst.add.f32.msk $0xffff, v5;
	s2 =	smov.u32 s0;
	(pc) =	sbr.rel @p1 .LBB2_11-.Ltmp6, $4  }
0xe6: {  	v4 =	vld.idx.msk [tilespmem:v3+s22+$0x0], vm0  }
0xe7: {  	vm5 =	vgt.s32 v8, $0xC37F;
	vm0 =	vgt.s32 v10, $0xC37F;
	v5 =	vld.idx.msk [tilespmem:v11+s22+$0x0], vm6  }
0xe8: {  	v7 =	vadd.s32 $0xFFFF3C80, v8;
	v3 =	vadd.s32 $0xFFFF3C80, v10;
	[tilespmem:s0+$0x0] =	vst.add.f32.msk $0xffff, v6  }
0xe9: {  	s6 =	sadd.s32 $0x40, s6;
	v8 =	vmul.f32 v12, v1;
	v6 =	vld.idx.msk [tilespmem:v9+s22+$0x0], vm7  }
0xea: {  	_ = 	snop  }
0xeb: {  	vm6 =	vgt.s32 v2, $0xC37F  }
0xec: {  	v2 =	vadd.s32 $0xFFFF3C80, v2;
	_ =	sdelay $0x2  }
0xed: {  	v7 =	vld.idx.msk [tilespmem:v7+s22+$0x0], vm5  }
0xee: {  	v3 =	vld.idx.msk [tilespmem:v3+s22+$0x0], vm0  }
0xef: {  	v4 =	vmul.f32 v4, v1;
	v2 =	vld.idx.msk [tilespmem:v2+s22+$0x0], vm6  }
0xf0: {  	v8 =	vnsel vm2, $0x0, v8;
	v5 =	vmul.f32 v5, v1  }
0xf1: {  	s6 =	sand.u32 $0x1FC0, s30;
	[tilespmem:s2+$0xFFFFFFE0] =	vst.add.f32.msk $0xffff, v8;
	v4 =	vnsel vm3, $0x0, v4;
	v6 =	vmul.f32 v6, v1  }
0xf2: {  	v5 =	vnsel vm4, $0x0, v5;
	[tilespmem:s6+$0x1C700] =	vst.add.f32.msk $0xffff, v4;
	v63 =	vmul.f32 v7, v1  }
.Ltmp7:
0xf3: {  	s0 =	sadd.s32 $0x40, s0;
	vm13 =	vmmov vm5;
	[tilespmem:s2+$0xFFFFFFF0] =	vst.add.f32.msk $0xffff, v5;
	v3 =	vmul.f32 v3, v1;
	v6 =	vnsel vm1, $0x0, v6;
	(pc) =	sbr.rel @p0 .LBB2_14-.Ltmp7, $4  }
0xf4: {  	vm14 =	vmmov vm0;
	[tilespmem:s0+$0x0] =	vst.add.f32.msk $0xffff, v6;
	v4 =	vnsel vm13, $0x0, v63;
	v1 =	vmul.f32 v2, v1  }
0xf5: {  	s31 =	sand.u32 $0x1FC0, s4;
	vm15 =	vmmov vm6;
	[tilespmem:s0+$0xFFFFFFE0] =	vst.add.f32.msk $0xffff, v4;
	v2 =	vnsel vm14, $0x0, v3  }
0xf6: {  	[tilespmem:s31+$0x1C700] =	vst.add.f32.msk $0xffff, v2;
	v1 =	vnsel vm15, $0x0, v1  }
0xf7: {  	[tilespmem:s0+$0xFFFFFFF0] =	vst.add.f32.msk $0xffff, v1  }
0xf8: {  	s0 =	smul.u32 $0x61C000, s29  }
.Ltmp8:
0xf9: {  	_ = 	snop;
	(pc) =	sbr.rel .LBB2_4-.Ltmp8, $4  }
0xfa: {  	s0 =	sadd.s32 s0, s10  }
0xfb: {  	s0 =	sshrl.u32 s0, $0x3  }
0xfc: {  	s29 =	sadd.s32 $0x1, s29;
	s0 =	sadd.s32 s3, s0  }
0xfd: {  	[tilespmem:s22], [sflag:$0x2] =	stream.strided.gather [hbm4b:s0+s20], $0xC380, s21, s20, $0x38;
	[tilespmem:$0x1E900] =	vst v63  }
.LBB2_14:
0xfe: {  	s0 =	rddreg [dreg:$0x7]  }
0xff: {  	[hbm4b:s0+s20] =	stream.strided.scatter [tilespmem:s26], [sflag:$0x3], $0x4000, s21, s20, $0x38;
	[tilespmem:$0x1E900] =	vst v63  }
0x100: {  	_ =	swait.ge [sflag:s19], $0x4000  }
0x101: {  	[sflag:s19] =	ssyncset.done $0x0  }
0x102: {  	s0 =	simm.s32 $0x1A740;
	[sflag:s19] =	ssyncadd.s32 $0xFFFFC000  }
0x103: {  	[tilespmem:s0+$0xFFFFFFC0] =	vst v0  }
0x104: {  	[tilespmem:s0+$0x30] =	vst v0  }
0x105: {  	[tilespmem:s0+$0x20] =	vst v0  }
0x106: {  	[tilespmem:s0+$0x10] =	vst v0  }
0x107: {  	[tilespmem:s0+$0x0] =	vst v0  }
0x108: {  	[tilespmem:s0+$0xFFFFFFF0] =	vst v0  }
0x109: {  	s2 =	simm.s32 $0x0;
	[tilespmem:s0+$0xFFFFFFE0] =	vst v0  }
.LBB2_15:
0x10a: {  	s2 =	sadd.s32 $0x80, s2;
	[tilespmem:s0+$0xFFFFFFD0] =	vst v0;
	s0 =	sadd.s32 $0x80, s0  }
0x10b: {  	[tilespmem:s0+$0xFFFFFFC0] =	vst v0;
	p0 =	slt.u32 s2, $0x3F80  }
0x10c: {  	[tilespmem:s0+$0x30] =	vst v0  }
.Ltmp9:
0x10d: {  	[tilespmem:s0+$0x20] =	vst v0;
	(pc) =	sbr.rel @p0 .LBB2_15-.Ltmp9, $4  }
0x10e: {  	[tilespmem:s0+$0x10] =	vst v0  }
0x10f: {  	[tilespmem:s0+$0x0] =	vst v0  }
0x110: {  	[tilespmem:s0+$0xFFFFFFF0] =	vst v0  }
0x111: {  	[tilespmem:s0+$0xFFFFFFE0] =	vst v0  }
0x112: {  	[tilespmem:s0+$0xFFFFFFD0] =	vst v0;
	s29 =	simm.s32 $0x0  }
0x113: {  	[tilespmem:s29], [sflag:$0x1] =	stream.strided.gather [hbm4b:s12+s20], $0xC380, s21, s20, $0x38;
	[tilespmem:$0x1E900] =	vst v63  }
0x114: {  	_ = 	snop  }
0x115: {  	[tilespmem:s22], [sflag:$0x2] =	stream.strided.gather [hbm4b:s13+s20], $0xC380, s21, s20, $0x38;
	[tilespmem:$0x1E900] =	vst v63  }
.LBB2_17:
0x116: {  	s0 =	sshll.u32 s29, $0x4  }
0x117: {  	s7 =	sshll.u32 s29, $0xB;
	s2 =	sand.u32 $0x3FFFFFF0, s0  }
0x118: {  	s0 =	sand.u32 $0x70, s0;
	v1 =	vld [tilespmem:s2+$0x1E700];
	_ =	swait.ge [sflag:s23], $0xC380;
	s2 =	sand.u32 $0xC000, s7  }
0x119: {  	[sflag:s23] =	ssyncset.done $0x0;
	s30 =	sor.u32 s0, s2  }
0x11a: {  	[sflag:s23] =	ssyncadd.s32 $0xFFFF3C80;
	s31 =	sadd.s32 s1, s30  }
0x11b: {  	[tilespmem:s24], [sflag:$0x3] =	stream.strided.gather [hbm4b:s31+s20], $0x2000, s21, s20, $0x38;
	[tilespmem:$0x1E900] =	vst v63  }
0x11c: {  	_ =	swait.ge [sflag:s19], $0x2000  }
0x11d: {  	[sflag:s19] =	ssyncset.done $0x0  }
0x11e: {  	s11 =	simm.s32 $0x18720;
	[sflag:s19] =	ssyncadd.s32 $0xFFFFE000  }
0x11f: {  	v2 =	vld [tilespmem:s11+$0x10];
	_ =	sdelay $0x2  }
0x120: {  	v5 =	vld [tilespmem:s11+$0xFFFFFFE0]  }
0x121: {  	v6 =	vld [tilespmem:s11+$0xFFFFFFF0]  }
0x122: {  	v7 =	vld [tilespmem:s11+$0x0];
	vm0 =	vlt.s32 v2, $0xC380;
	_ =	sdelay $0x2  }
0x123: {  	s18 =	simm.s32 $0x18760;
	vm1 =	vlt.s32 v5, $0xC380  }
0x124: {  	v9 =	vld [tilespmem:s18+$0x10];
	vm2 =	vlt.s32 v6, $0xC380  }
0x125: {  	v3 =	vld [tilespmem:s18+$0x0];
	vm5 =	vlt.s32 v7, $0xC380  }
0x126: {  	v8 =	vld.idx.msk [tilespmem:v2+s5+$0x0], vm0  }
0x127: {  	v4 =	vld [tilespmem:s18+$0xFFFFFFE0]  }
0x128: {  	v2 =	vld [tilespmem:s18+$0xFFFFFFF0]  }
0x129: {  	vm7 =	vlt.s32 v9, $0xC380;
	v10 =	vld.idx.msk [tilespmem:v5+s5+$0x0], vm1  }
0x12a: {  	v11 =	vld.idx.msk [tilespmem:v6+s5+$0x0], vm2  }
0x12b: {  	v5 =	vld.idx.msk [tilespmem:v7+s5+$0x0], vm5;
	v6 =	vmul.f32 v8, v1  }
0x12c: {  	vm6 =	vlt.s32 v4, $0xC380;
	vm0 =	vmmov vm0  }
0x12d: {  	s0 =	simm.s32 $0x1A730;
	vm4 =	vmmov vm1;
	vm3 =	vmmov vm2;
	v6 =	vnsel vm0, $0x0, v6  }
0x12e: {  	vm1 =	vmmov vm5;
	vm5 =	vmmov vm7;
	v8 =	vmul.f32 v10, v1;
	[tilespmem:s0+$0x0] =	vst.add.f32.msk $0xffff, v6  }
0x12f: {  	s4 =	simm.s32 $0x40;
	s6 =	simm.s32 $0x187A0;
	s2 =	simm.s32 $0x1A730;
	vm2 =	vlt.s32 v2, $0xC380;
	v7 =	vmul.f32 v11, v1;
	vm0 =	vlt.s32 v3, $0xC380;
	v6 =	vld.idx.msk [tilespmem:v9+s5+$0x0], vm7  }
.LBB2_18:
0x130: {  	v9 =	vld [tilespmem:s6+$0x10];
	s4 =	sadd.s32 $0x40, s4;
	v8 =	vnsel vm4, $0x0, v8;
	v5 =	vmul.f32 v5, v1;
	vm4 =	vmmov vm6  }
0x131: {  	v10 =	vld [tilespmem:s6+$0xFFFFFFF0];
	p0 =	slt.u32 s4, $0x1FC0;
	v7 =	vnsel vm3, $0x0, v7;
	vm3 =	vmmov vm2  }
0x132: {  	v11 =	vld [tilespmem:s6+$0x0];
	v12 =	vnsel vm1, $0x0, v5;
	vm1 =	vmmov vm0  }
0x133: {  	v13 =	vld [tilespmem:s6+$0xFFFFFFE0]  }
0x134: {  	v14 =	vld.idx.msk [tilespmem:v4+s5+$0x0], vm6  }
0x135: {  	v16 =	vmul.f32 v6, v1;
	vm7 =	vlt.s32 v9, $0xC380;
	v15 =	vld.idx.msk [tilespmem:v2+s5+$0x0], vm2  }
0x136: {  	vm2 =	vlt.s32 v10, $0xC380;
	v5 =	vld.idx.msk [tilespmem:v3+s5+$0x0], vm0;
	v2 =	vmov v10  }
.Ltmp10:
0x137: {  	s2 =	sadd.s32 $0x40, s2;
	v6 =	vnsel vm5, $0x0, v16;
	vm5 =	vmmov vm7;
	vm0 =	vlt.s32 v11, $0xC380;
	[tilespmem:s0+$0xFFFFFFD0] =	vst.add.f32.msk $0xffff, v8;
	v3 =	vmovc v11;
	(pc) =	sbr.rel @p0 .LBB2_18-.Ltmp10, $4  }
0x138: {  	vm6 =	vlt.s32 v13, $0xC380;
	[tilespmem:s2+$0x0] =	vst.add.f32.msk $0xffff, v6;
	v4 =	vmov v13  }
0x139: {  	[tilespmem:s0+$0xFFFFFFE0] =	vst.add.f32.msk $0xffff, v7  }
0x13a: {  	v8 =	vmul.f32 v14, v1;
	[tilespmem:s0+$0xFFFFFFF0] =	vst.add.f32.msk $0xffff, v12;
	s0 =	smov.u32 s2  }
0x13b: {  	s6 =	sadd.s32 $0x40, s6;
	v7 =	vmul.f32 v15, v1;
	v6 =	vld.idx.msk [tilespmem:v9+s5+$0x0], vm7  }
0x13c: {  	_ =	sdelay $0x4  }
0x13d: {  	v4 =	vld.idx.msk [tilespmem:v4+s5+$0x0], vm6  }
0x13e: {  	v2 =	vld.idx.msk [tilespmem:v2+s5+$0x0], vm2  }
0x13f: {  	v3 =	vld.idx.msk [tilespmem:v3+s5+$0x0], vm0  }
0x140: {  	v8 =	vnsel vm4, $0x0, v8;
	v5 =	vmul.f32 v5, v1  }
0x141: {  	[tilespmem:s0+$0xFFFFFFD0] =	vst.add.f32.msk $0xffff, v8;
	v7 =	vnsel vm3, $0x0, v7;
	v6 =	vmul.f32 v6, v1  }
0x142: {  	v5 =	vnsel vm1, $0x0, v5;
	[tilespmem:s0+$0xFFFFFFE0] =	vst.add.f32.msk $0xffff, v7;
	v4 =	vmul.f32 v4, v1  }
0x143: {  	s2 =	sadd.s32 $0x40, s2;
	vm3 =	vmmov vm6;
	[tilespmem:s0+$0xFFFFFFF0] =	vst.add.f32.msk $0xffff, v5;
	v2 =	vmul.f32 v2, v1;
	v6 =	vnsel vm5, $0x0, v6  }
0x144: {  	vm1 =	vmmov vm2;
	v3 =	vmul.f32 v3, v1;
	[tilespmem:s2+$0x0] =	vst.add.f32.msk $0xffff, v6;
	v4 =	vnsel vm3, $0x0, v4  }
0x145: {  	vm0 =	vmmov vm0;
	v2 =	vnsel vm1, $0x0, v2;
	[tilespmem:s2+$0xFFFFFFD0] =	vst.add.f32.msk $0xffff, v4  }
0x146: {  	v3 =	vnsel vm0, $0x0, v3;
	[tilespmem:s2+$0xFFFFFFE0] =	vst.add.f32.msk $0xffff, v2  }
0x147: {  	s30 =	sadd.s32 s30, s8;
	[tilespmem:s2+$0xFFFFFFF0] =	vst.add.f32.msk $0xffff, v3  }
0x148: {  	[tilespmem:s24], [sflag:$0x3] =	stream.strided.gather [hbm4b:s30+s20], $0x2000, s21, s20, $0x38;
	[tilespmem:$0x1E900] =	vst v63  }
0x149: {  	_ =	swait.ge [sflag:s19], $0x2000  }
0x14a: {  	[sflag:s19] =	ssyncset.done $0x0  }
0x14b: {  	s18 =	simm.s32 $0x18720;
	[sflag:s19] =	ssyncadd.s32 $0xFFFFE000  }
0x14c: {  	v2 =	vld [tilespmem:s18+$0x10];
	_ =	sdelay $0x4  }
0x14d: {  	v3 =	vld [tilespmem:s18+$0xFFFFFFF0];
	vm0 =	vlt.s32 v2, $0xC380  }
0x14e: {  	v5 =	vld [tilespmem:s18+$0xFFFFFFE0]  }
0x14f: {  	v6 =	vld [tilespmem:s18+$0x0];
	_ =	sdelay $0x1  }
0x150: {  	s4 =	simm.s32 $0x18760  }
0x151: {  	v8 =	vld [tilespmem:s4+$0x10];
	vm1 =	vlt.s32 v3, $0xC380  }
0x152: {  	vm2 =	vlt.s32 v5, $0xC380;
	v7 =	vld.idx.msk [tilespmem:v2+s5+$0x0], vm0  }
0x153: {  	vm5 =	vlt.s32 v6, $0xC380;
	_ =	sdelay $0x1  }
0x154: {  	v4 =	vld [tilespmem:s4+$0xFFFFFFF0]  }
0x155: {  	vm6 =	vlt.s32 v8, $0xC380;
	v2 =	vld [tilespmem:s4+$0xFFFFFFE0]  }
0x156: {  	v9 =	vld.idx.msk [tilespmem:v3+s5+$0x0], vm1;
	v7 =	vmul.f32 v7, v1  }
0x157: {  	vm0 =	vmmov vm0;
	v5 =	vld.idx.msk [tilespmem:v5+s5+$0x0], vm2  }
0x158: {  	s0 =	simm.s32 $0x1C730;
	v6 =	vld.idx.msk [tilespmem:v6+s5+$0x0], vm5;
	v3 =	vnsel vm0, $0x0, v7  }
0x159: {  	vm3 =	vmmov vm1;
	[tilespmem:s0+$0x0] =	vst.add.f32.msk $0xffff, v3  }
0x15a: {  	s6 =	simm.s32 $0x40;
	s7 =	simm.s32 $0x187A0;
	vm4 =	vmmov vm2;
	vm1 =	vmmov vm5;
	vm5 =	vlt.s32 v4, $0xC380;
	v3 =	vld [tilespmem:s4+$0x0]  }
0x15b: {  	s2 =	simm.s32 $0x0;
	s18 =	simm.s32 $0x1C730;
	vm2 =	vlt.s32 v2, $0xC380;
	vm0 =	vmmov vm6;
	v7 =	vld.idx.msk [tilespmem:v8+s5+$0x0], vm6;
	v8 =	vmul.f32 v9, v1;
	s4 =	simm.s32 $0x40  }
.LBB2_20:
0x15c: {  	s6 =	sadd.s32 $0x40, s6;
	v9 =	vld [tilespmem:s7+$0x10];
	s0 =	sadd.s32 $0x40, s0  }
0x15d: {  	v5 =	vmul.f32 v5, v1;
	v10 =	vld [tilespmem:s7+$0xFFFFFFE0];
	p0 =	slt.u32 s6, $0x1FC0;
	v8 =	vnsel vm3, $0x0, v8;
	vm3 =	vmmov vm5  }
0x15e: {  	v11 =	vld [tilespmem:s7+$0xFFFFFFF0]  }
0x15f: {  	v5 =	vnsel vm4, $0x0, v5;
	v6 =	vmul.f32 v6, v1;
	vm6 =	vlt.s32 v3, $0xC380;
	[tilespmem:s18+$0xFFFFFFE0] =	vst.add.f32.msk $0xffff, v8  }
0x160: {  	s11 =	sand.u32 $0x1FC0, s2;
	s2 =	smov.u32 s4;
	s4 =	smov.u32 s6;
	vm4 =	vmmov vm2;
	v8 =	vld.idx.msk [tilespmem:v4+s5+$0x0], vm5  }
0x161: {  	v7 =	vmul.f32 v7, v1;
	vm7 =	vlt.s32 v9, $0xC380;
	[tilespmem:s11+$0x1C700] =	vst.add.f32.msk $0xffff, v5;
	v5 =	vnsel vm1, $0x0, v6  }
0x162: {  	vm1 =	vmmov vm6;
	[tilespmem:s18+$0xFFFFFFF0] =	vst.add.f32.msk $0xffff, v5;
	s18 =	smov.u32 s0  }
.Ltmp11:
0x163: {  	v6 =	vnsel vm0, $0x0, v7;
	vm0 =	vmmov vm7;
	v5 =	vld.idx.msk [tilespmem:v2+s5+$0x0], vm2;
	v2 =	vmovc v10;
	v4 =	vmov v11;
	(pc) =	sbr.rel @p0 .LBB2_20-.Ltmp11, $4  }
0x164: {  	[tilespmem:s0+$0x0] =	vst.add.f32.msk $0xffff, v6  }
0x165: {  	vm2 =	vlt.s32 v2, $0xC380;
	v6 =	vld.idx.msk [tilespmem:v3+s5+$0x0], vm6  }
0x166: {  	vm5 =	vlt.s32 v4, $0xC380;
	v3 =	vld [tilespmem:s7+$0x0]  }
0x167: {  	v8 =	vmul.f32 v8, v1;
	s7 =	sadd.s32 $0x40, s7;
	v7 =	vld.idx.msk [tilespmem:v9+s5+$0x0], vm7  }
0x168: {  	_ =	sdelay $0x2  }
0x169: {  	vm6 =	vlt.s32 v3, $0xC380;
	_ =	sdelay $0x3  }
0x16a: {  	v4 =	vld.idx.msk [tilespmem:v4+s5+$0x0], vm5  }
0x16b: {  	v2 =	vld.idx.msk [tilespmem:v2+s5+$0x0], vm2  }
0x16c: {  	v5 =	vmul.f32 v5, v1;
	v3 =	vld.idx.msk [tilespmem:v3+s5+$0x0], vm6  }
0x16d: {  	v8 =	vnsel vm3, $0x0, v8;
	v6 =	vmul.f32 v6, v1  }
0x16e: {  	s2 =	sand.u32 $0x1FC0, s2;
	v5 =	vnsel vm4, $0x0, v5;
	[tilespmem:s18+$0xFFFFFFE0] =	vst.add.f32.msk $0xffff, v8;
	v7 =	vmul.f32 v7, v1  }
0x16f: {  	p0 =	seq.s32 s29, $0x19;
	[tilespmem:s2+$0x1C700] =	vst.add.f32.msk $0xffff, v5;
	v5 =	vnsel vm1, $0x0, v6;
	v4 =	vmul.f32 v4, v1  }
0x170: {  	s0 =	sadd.s32 $0x40, s0;
	s2 =	smul.u32 @!p0 $0x61C000, s29;
	vm1 =	vmmov vm5;
	[tilespmem:s18+$0xFFFFFFF0] =	vst.add.f32.msk $0xffff, v5;
	v2 =	vmul.f32 v2, v1;
	v5 =	vnsel vm0, $0x0, v7  }
0x171: {  	vm0 =	vmmov vm2;
	[tilespmem:s0+$0x0] =	vst.add.f32.msk $0xffff, v5;
	v4 =	vnsel vm1, $0x0, v4;
	v3 =	vmul.f32 v3, v1  }
0x172: {  	s4 =	sand.u32 $0x1FC0, s4;
	s2 =	sadd.s32 @!p0 s2, s14;
	vm1 =	vmmov vm6;
	v2 =	vnsel vm0, $0x0, v2;
	[tilespmem:s0+$0xFFFFFFE0] =	vst.add.f32.msk $0xffff, v4  }
0x173: {  	s6 =	simm.s32 @!p0 $0x0;
	s2 =	sshrl.u32 @!p0 s2, $0x3;
	[tilespmem:s4+$0x1C700] =	vst.add.f32.msk $0xffff, v2;
	v2 =	vnsel vm1, $0x0, v3  }
0x174: {  	s2 =	sadd.s32 @!p0 s3, s2;
	s4 =	simm.s32 @!p0 $0x400;
	[tilespmem:s0+$0xFFFFFFF0] =	vst.add.f32.msk $0xffff, v2;
	s0 =	simm.s32 @!p0 $0x80  }
0x175: {  	[tilespmem:s6], [sflag:$0x1] =	stream.strided.gather @!p0 [hbm4b:s2+s0], $0xC380, s4, s0, $0x38;
	[tilespmem:$0x1E900] =	vst v63  }
0x176: {  	_ =	swait.ge [sflag:s25], $0xC380  }
0x177: {  	[sflag:s25] =	ssyncset.done $0x0  }
0x178: {  	[sflag:s25] =	ssyncadd.s32 $0xFFFF3C80  }
0x179: {  	[tilespmem:s24], [sflag:$0x3] =	stream.strided.gather [hbm4b:s31+s20], $0x2000, s21, s20, $0x38;
	[tilespmem:$0x1E900] =	vst v63  }
0x17a: {  	_ =	swait.ge [sflag:s19], $0x2000  }
0x17b: {  	[sflag:s19] =	ssyncset.done $0x0  }
0x17c: {  	s18 =	simm.s32 $0x18720;
	[sflag:s19] =	ssyncadd.s32 $0xFFFFE000  }
0x17d: {  	v2 =	vld [tilespmem:s18+$0x10];
	_ =	sdelay $0x1  }
0x17e: {  	v3 =	vld [tilespmem:s18+$0xFFFFFFE0]  }
0x17f: {  	v4 =	vld [tilespmem:s18+$0xFFFFFFF0]  }
0x180: {  	v5 =	vld [tilespmem:s18+$0x0]  }
0x181: {  	vm0 =	vgt.s32 v2, $0xC37F  }
0x182: {  	s31 =	simm.s32 $0x18760;
	v2 =	vadd.s32 $0xFFFF3C80, v2  }
0x183: {  	v6 =	vld [tilespmem:s31+$0x10];
	vm1 =	vgt.s32 v3, $0xC37F  }
0x184: {  	vm2 =	vgt.s32 v4, $0xC37F;
	v3 =	vadd.s32 $0xFFFF3C80, v3  }
0x185: {  	v7 =	vld [tilespmem:s31+$0xFFFFFFF0];
	v4 =	vadd.s32 $0xFFFF3C80, v4;
	vm5 =	vgt.s32 v5, $0xC37F  }
0x186: {  	v8 =	vld [tilespmem:s31+$0x0];
	v5 =	vadd.s32 $0xFFFF3C80, v5  }
0x187: {  	v2 =	vld.idx.msk [tilespmem:v2+s22+$0x0], vm0  }
0x188: {  	v9 =	vld [tilespmem:s31+$0xFFFFFFE0];
	vm7 =	vgt.s32 v6, $0xC37F  }
0x189: {  	v6 =	vadd.s32 $0xFFFF3C80, v6;
	v10 =	vld.idx.msk [tilespmem:v3+s22+$0x0], vm1  }
0x18a: {  	v11 =	vld.idx.msk [tilespmem:v4+s22+$0x0], vm2  }
0x18b: {  	vm6 =	vmmov vm0;
	vm4 =	vmmov vm1;
	vm3 =	vmmov vm2;
	v4 =	vld.idx.msk [tilespmem:v5+s22+$0x0], vm5  }
0x18c: {  	vm1 =	vmmov vm5;
	vm2 =	vgt.s32 v7, $0xC37F;
	v3 =	vmul.f32 v2, v1  }
0x18d: {  	vm0 =	vgt.s32 v8, $0xC37F;
	v5 =	vadd.s32 $0xFFFF3C80, v9;
	v2 =	vadd.s32 $0xFFFF3C80, v7  }
0x18e: {  	s0 =	simm.s32 $0x1A730;
	v6 =	vld.idx.msk [tilespmem:v6+s22+$0x0], vm7;
	v7 =	vnsel vm6, $0x0, v3;
	v3 =	vadd.s32 $0xFFFF3C80, v8;
	v8 =	vmul.f32 v10, v1  }
0x18f: {  	s4 =	simm.s32 $0x40;
	s6 =	simm.s32 $0x187A0;
	s2 =	simm.s32 $0x1A730;
	vm5 =	vmmov vm7;
	vm6 =	vgt.s32 v9, $0xC37F;
	[tilespmem:s0+$0x0] =	vst.add.f32.msk $0xffff, v7;
	v7 =	vmul.f32 v11, v1  }
.LBB2_22:
0x190: {  	v9 =	vld [tilespmem:s6+$0x10];
	s4 =	sadd.s32 $0x40, s4;
	v8 =	vnsel vm4, $0x0, v8;
	v4 =	vmul.f32 v4, v1;
	vm4 =	vmmov vm6  }
0x191: {  	v10 =	vld [tilespmem:s6+$0xFFFFFFF0];
	p1 =	slt.u32 s4, $0x1FC0;
	v7 =	vnsel vm3, $0x0, v7;
	vm3 =	vmmov vm2  }
0x192: {  	v11 =	vld [tilespmem:s6+$0x0];
	v12 =	vnsel vm1, $0x0, v4;
	vm1 =	vmmov vm0  }
0x193: {  	v13 =	vld [tilespmem:s6+$0xFFFFFFE0]  }
0x194: {  	v14 =	vld.idx.msk [tilespmem:v5+s22+$0x0], vm6  }
0x195: {  	v5 =	vmul.f32 v6, v1;
	vm7 =	vgt.s32 v9, $0xC37F;
	v15 =	vld.idx.msk [tilespmem:v2+s22+$0x0], vm2  }
0x196: {  	v6 =	vadd.s32 $0xFFFF3C80, v9;
	vm2 =	vgt.s32 v10, $0xC37F;
	v2 =	vadd.s32 $0xFFFF3C80, v10;
	v4 =	vld.idx.msk [tilespmem:v3+s22+$0x0], vm0  }
.Ltmp12:
0x197: {  	s2 =	sadd.s32 $0x40, s2;
	v9 =	vnsel vm5, $0x0, v5;
	vm0 =	vgt.s32 v11, $0xC37F;
	v3 =	vadd.s32 $0xFFFF3C80, v11;
	[tilespmem:s0+$0xFFFFFFD0] =	vst.add.f32.msk $0xffff, v8;
	(pc) =	sbr.rel @p1 .LBB2_22-.Ltmp12, $4  }
0x198: {  	vm5 =	vmmov vm7;
	vm6 =	vgt.s32 v13, $0xC37F;
	v5 =	vadd.s32 $0xFFFF3C80, v13;
	[tilespmem:s2+$0x0] =	vst.add.f32.msk $0xffff, v9  }
0x199: {  	[tilespmem:s0+$0xFFFFFFE0] =	vst.add.f32.msk $0xffff, v7  }
0x19a: {  	v8 =	vmul.f32 v14, v1;
	[tilespmem:s0+$0xFFFFFFF0] =	vst.add.f32.msk $0xffff, v12;
	s0 =	smov.u32 s2  }
0x19b: {  	s6 =	sadd.s32 $0x40, s6;
	v7 =	vmul.f32 v15, v1;
	v6 =	vld.idx.msk [tilespmem:v6+s22+$0x0], vm7  }
0x19c: {  	_ =	sdelay $0x4  }
0x19d: {  	v5 =	vld.idx.msk [tilespmem:v5+s22+$0x0], vm6  }
0x19e: {  	v2 =	vld.idx.msk [tilespmem:v2+s22+$0x0], vm2  }
0x19f: {  	v3 =	vld.idx.msk [tilespmem:v3+s22+$0x0], vm0  }
0x1a0: {  	v8 =	vnsel vm4, $0x0, v8;
	v4 =	vmul.f32 v4, v1  }
0x1a1: {  	[tilespmem:s0+$0xFFFFFFD0] =	vst.add.f32.msk $0xffff, v8;
	v7 =	vnsel vm3, $0x0, v7;
	v6 =	vmul.f32 v6, v1  }
0x1a2: {  	v4 =	vnsel vm1, $0x0, v4;
	[tilespmem:s0+$0xFFFFFFE0] =	vst.add.f32.msk $0xffff, v7;
	v5 =	vmul.f32 v5, v1  }
0x1a3: {  	s2 =	sadd.s32 $0x40, s2;
	vm3 =	vmmov vm6;
	[tilespmem:s0+$0xFFFFFFF0] =	vst.add.f32.msk $0xffff, v4;
	v2 =	vmul.f32 v2, v1;
	v6 =	vnsel vm5, $0x0, v6  }
0x1a4: {  	vm1 =	vmmov vm2;
	v3 =	vmul.f32 v3, v1;
	[tilespmem:s2+$0x0] =	vst.add.f32.msk $0xffff, v6;
	v4 =	vnsel vm3, $0x0, v5  }
0x1a5: {  	vm0 =	vmmov vm0;
	v2 =	vnsel vm1, $0x0, v2;
	[tilespmem:s2+$0xFFFFFFD0] =	vst.add.f32.msk $0xffff, v4  }
0x1a6: {  	v3 =	vnsel vm0, $0x0, v3;
	[tilespmem:s2+$0xFFFFFFE0] =	vst.add.f32.msk $0xffff, v2  }
0x1a7: {  	[tilespmem:s2+$0xFFFFFFF0] =	vst.add.f32.msk $0xffff, v3  }
0x1a8: {  	[tilespmem:s24], [sflag:$0x3] =	stream.strided.gather [hbm4b:s30+s20], $0x2000, s21, s20, $0x38;
	[tilespmem:$0x1E900] =	vst v63  }
0x1a9: {  	_ =	swait.ge [sflag:s19], $0x2000  }
0x1aa: {  	[sflag:s19] =	ssyncset.done $0x0  }
0x1ab: {  	s18 =	simm.s32 $0x18720;
	[sflag:s19] =	ssyncadd.s32 $0xFFFFE000  }
0x1ac: {  	v2 =	vld [tilespmem:s18+$0x10];
	_ =	sdelay $0x2  }
0x1ad: {  	v3 =	vld [tilespmem:s18+$0xFFFFFFF0];
	_ =	sdelay $0x1  }
0x1ae: {  	v4 =	vld [tilespmem:s18+$0xFFFFFFE0];
	vm0 =	vgt.s32 v2, $0xC37F  }
0x1af: {  	s31 =	simm.s32 $0x18760;
	v5 =	vld [tilespmem:s18+$0x0];
	v2 =	vadd.s32 $0xFFFF3C80, v2  }
0x1b0: {  	v6 =	vld [tilespmem:s31+$0x10]  }
0x1b1: {  	vm1 =	vgt.s32 v3, $0xC37F  }
0x1b2: {  	v3 =	vadd.s32 $0xFFFF3C80, v3  }
0x1b3: {  	vm3 =	vgt.s32 v4, $0xC37F  }
0x1b4: {  	v4 =	vadd.s32 $0xFFFF3C80, v4;
	vm5 =	vgt.s32 v5, $0xC37F;
	v7 =	vld.idx.msk [tilespmem:v2+s22+$0x0], vm0  }
0x1b5: {  	v8 =	vld [tilespmem:s31+$0xFFFFFFE0];
	v5 =	vadd.s32 $0xFFFF3C80, v5;
	vm6 =	vgt.s32 v6, $0xC37F  }
0x1b6: {  	v9 =	vld [tilespmem:s31+$0xFFFFFFF0];
	v6 =	vadd.s32 $0xFFFF3C80, v6  }
0x1b7: {  	v10 =	vld.idx.msk [tilespmem:v3+s22+$0x0], vm1  }
0x1b8: {  	v2 =	vld [tilespmem:s31+$0x0]  }
0x1b9: {  	vm2 =	vmmov vm1;
	vm4 =	vmmov vm5;
	v4 =	vld.idx.msk [tilespmem:v4+s22+$0x0], vm3;
	v3 =	vmul.f32 v7, v1  }
0x1ba: {  	vm0 =	vmmov vm0;
	vm3 =	vmmov vm3;
	v5 =	vld.idx.msk [tilespmem:v5+s22+$0x0], vm5;
	vm1 =	vmmov vm6  }
0x1bb: {  	s6 =	simm.s32 $0x187A0;
	s4 =	simm.s32 $0x40;
	s0 =	simm.s32 $0x1C730;
	vm5 =	vgt.s32 v9, $0xC37F;
	v6 =	vld.idx.msk [tilespmem:v6+s22+$0x0], vm6;
	v7 =	vadd.s32 $0xFFFF3C80, v9;
	v3 =	vnsel vm0, $0x0, v3  }
0x1bc: {  	s2 =	simm.s32 $0x1C730;
	s30 =	simm.s32 $0x0;
	s18 =	simm.s32 $0x40;
	vm0 =	vgt.s32 v8, $0xC37F;
	[tilespmem:s0+$0x0] =	vst.add.f32.msk $0xffff, v3;
	v3 =	vadd.s32 $0xFFFF3C80, v8;
	v8 =	vmul.f32 v10, v1  }
.LBB2_24:
0x1bd: {  	s18 =	sadd.s32 $0x40, s18;
	v9 =	vld [tilespmem:s6+$0x10];
	vm6 =	vgt.s32 v2, $0xC37F;
	s0 =	sadd.s32 $0x40, s0  }
0x1be: {  	v11 =	vadd.s32 $0xFFFF3C80, v2;
	v10 =	vld [tilespmem:s6+$0xFFFFFFE0];
	p1 =	slt.u32 s18, $0x1FC0;
	v2 =	vnsel vm2, $0x0, v8;
	vm2 =	vmmov vm5  }
0x1bf: {  	v4 =	vmul.f32 v4, v1;
	v8 =	vld [tilespmem:s6+$0xFFFFFFF0]  }
0x1c0: {  	v5 =	vmul.f32 v5, v1;
	v12 =	vld.idx.msk [tilespmem:v7+s22+$0x0], vm5  }
0x1c1: {  	v4 =	vnsel vm3, $0x0, v4;
	vm3 =	vmmov vm0;
	[tilespmem:s2+$0xFFFFFFE0] =	vst.add.f32.msk $0xffff, v2  }
0x1c2: {  	s7 =	sand.u32 $0x1FC0, s30;
	s30 =	smov.u32 s4;
	s4 =	smov.u32 s18;
	v6 =	vmul.f32 v6, v1;
	v5 =	vnsel vm4, $0x0, v5;
	v2 =	vld [tilespmem:s6+$0x0];
	vm7 =	vgt.s32 v9, $0xC37F  }
0x1c3: {  	vm4 =	vmmov vm6;
	v9 =	vadd.s32 $0xFFFF3C80, v9;
	[tilespmem:s7+$0x1C700] =	vst.add.f32.msk $0xffff, v4  }
.Ltmp13:
0x1c4: {  	v6 =	vnsel vm1, $0x0, v6;
	vm1 =	vmmov vm7;
	[tilespmem:s2+$0xFFFFFFF0] =	vst.add.f32.msk $0xffff, v5;
	s2 =	smov.u32 s0;
	(pc) =	sbr.rel @p1 .LBB2_24-.Ltmp13, $4  }
0x1c5: {  	v4 =	vld.idx.msk [tilespmem:v3+s22+$0x0], vm0  }
0x1c6: {  	vm5 =	vgt.s32 v8, $0xC37F;
	vm0 =	vgt.s32 v10, $0xC37F;
	v5 =	vld.idx.msk [tilespmem:v11+s22+$0x0], vm6  }
0x1c7: {  	v7 =	vadd.s32 $0xFFFF3C80, v8;
	v3 =	vadd.s32 $0xFFFF3C80, v10;
	[tilespmem:s0+$0x0] =	vst.add.f32.msk $0xffff, v6  }
0x1c8: {  	s6 =	sadd.s32 $0x40, s6;
	v8 =	vmul.f32 v12, v1;
	v6 =	vld.idx.msk [tilespmem:v9+s22+$0x0], vm7  }
0x1c9: {  	_ = 	snop  }
0x1ca: {  	vm6 =	vgt.s32 v2, $0xC37F  }
0x1cb: {  	v2 =	vadd.s32 $0xFFFF3C80, v2;
	_ =	sdelay $0x2  }
0x1cc: {  	v7 =	vld.idx.msk [tilespmem:v7+s22+$0x0], vm5  }
0x1cd: {  	v3 =	vld.idx.msk [tilespmem:v3+s22+$0x0], vm0  }
0x1ce: {  	v4 =	vmul.f32 v4, v1;
	v2 =	vld.idx.msk [tilespmem:v2+s22+$0x0], vm6  }
0x1cf: {  	v8 =	vnsel vm2, $0x0, v8;
	v5 =	vmul.f32 v5, v1  }
0x1d0: {  	s6 =	sand.u32 $0x1FC0, s30;
	[tilespmem:s2+$0xFFFFFFE0] =	vst.add.f32.msk $0xffff, v8;
	v4 =	vnsel vm3, $0x0, v4;
	v6 =	vmul.f32 v6, v1  }
0x1d1: {  	v5 =	vnsel vm4, $0x0, v5;
	[tilespmem:s6+$0x1C700] =	vst.add.f32.msk $0xffff, v4;
	v63 =	vmul.f32 v7, v1  }
.Ltmp14:
0x1d2: {  	s0 =	sadd.s32 $0x40, s0;
	vm13 =	vmmov vm5;
	[tilespmem:s2+$0xFFFFFFF0] =	vst.add.f32.msk $0xffff, v5;
	v3 =	vmul.f32 v3, v1;
	v6 =	vnsel vm1, $0x0, v6;
	(pc) =	sbr.rel @p0 .LBB2_27-.Ltmp14, $4  }
0x1d3: {  	vm14 =	vmmov vm0;
	[tilespmem:s0+$0x0] =	vst.add.f32.msk $0xffff, v6;
	v4 =	vnsel vm13, $0x0, v63;
	v1 =	vmul.f32 v2, v1  }
0x1d4: {  	s31 =	sand.u32 $0x1FC0, s4;
	vm15 =	vmmov vm6;
	[tilespmem:s0+$0xFFFFFFE0] =	vst.add.f32.msk $0xffff, v4;
	v2 =	vnsel vm14, $0x0, v3  }
0x1d5: {  	[tilespmem:s31+$0x1C700] =	vst.add.f32.msk $0xffff, v2;
	v1 =	vnsel vm15, $0x0, v1  }
0x1d6: {  	[tilespmem:s0+$0xFFFFFFF0] =	vst.add.f32.msk $0xffff, v1  }
0x1d7: {  	s0 =	smul.u32 $0x61C000, s29  }
.Ltmp15:
0x1d8: {  	_ = 	snop;
	(pc) =	sbr.rel .LBB2_17-.Ltmp15, $4  }
0x1d9: {  	s0 =	sadd.s32 s0, s15  }
0x1da: {  	s0 =	sshrl.u32 s0, $0x3  }
0x1db: {  	s29 =	sadd.s32 $0x1, s29;
	s0 =	sadd.s32 s3, s0  }
0x1dc: {  	[tilespmem:s22], [sflag:$0x2] =	stream.strided.gather [hbm4b:s0+s20], $0xC380, s21, s20, $0x38;
	[tilespmem:$0x1E900] =	vst v63  }
.LBB2_28:
0x1dd: {  	_ =	sfence.sel $0x180000  }
0x1de: {  	[bflag:$0x0] =	sbarrier.arrive $0xFFFF  }
0x1df: {  	_ =	strace $0x90000047  }
0x1e0: {  	s0 =	stileid.u32;
	[bflag:$0x2] =	sbarrier.arrive $0xFFFF  }
0x1e1: {  	p0 =	sne.s32 s0, $0x0;
	s0 =	rddreg [dreg:$0x4]  }
0x1e2: {  	s0 =	sadd.s32 @!p0 $0x100000, s0  }
0x1e3: {  	[sflag:s0] =	ssyncadd.tile.s32 @!p0 $0x1;
	_ =	shalt  }
.Lfunc_end2:
_tile_overlayer_lowered:
.L_overlay_start_2:
0x1e4: {  	(tag) =	ssettag $0x2  }
0x1e5: {  	s0 =	rddreg [dreg:$0x0];
	s2 =	stileid.u32  }
0x1e6: {  	s1 =	rddreg [dreg:$0x1];
	p0 =	sne.s32 s2, $0x0  }
0x1e7: {  	s3 =	rddreg [dreg:$0x2];
	[bflag:$0x3] =	sbarrier.arrive $0xFFFF;
	s2 =	simm.s32 @!p0 $0x1C03  }
0x1e8: {  	[timem:s3], [sflag:s2] =	dma.local @!p0 [hbm:s0], s1  }
0x1e9: {  	s0 =	simm.s32 @!p0 $0x3  }
0x1ea: {  	_ =	swait.ge @!p0 [sflag:s0], s1  }
0x1eb: {  	s1 =	ssub.s32 @!p0 $0x0, s1;
	[sflag:s0] =	ssyncset.done @!p0 $0x0  }
0x1ec: {  	[sflag:s0] =	ssyncadd.s32 @!p0 s1  }
0x1ed: {  	[bflag:$0x3] =	sbarrier.arrive $0xFFFF  }
0x1ee: {  	_ =	shalt  }

</sc_bundles>
